<compile_context>
chip_gen: v7x
topology: tpu7x:2x2x1
jax: 0.10.2.dev20260603
libtpu: 0.0.44.dev20260713+nightly
codegen_flags: <defaults>
</compile_context>

<pallas_src>
import jax
import jax.numpy as jnp
from jax import lax
from jax.experimental import pallas as pl
from jax.experimental.pallas import tpu as pltpu
from jax.experimental.pallas import tpu_sc as plsc

N_ENVS = 4096
H = 64
W = 64
VIEW = 11
NC = 2
NS = 16
LANES = 16
NW = NC * NS
EPW = N_ENVS // NW
G = EPW // LANES
OUT_PER_ENV = 5 * VIEW * VIEW
PATCH = VIEW * VIEW


def _sc_body(grids_hbm, en_hbm, act_hbm, ax_hbm, ay_hbm, dx_hbm, dy_hbm,
             out_hbm, slab_v, out_v, en_v, act_v, ax_v, ay_v, dx_v,
             dy_v, sem, osem):
    wid = lax.axis_index("s") * NC + lax.axis_index("c")
    base = pl.multiple_of(wid * EPW, EPW)

    pltpu.sync_copy(en_hbm.at[pl.ds(base, EPW)], en_v)
    pltpu.sync_copy(act_hbm.at[pl.ds(base, EPW)], act_v)
    pltpu.sync_copy(ax_hbm.at[pl.ds(base, EPW)], ax_v)
    pltpu.sync_copy(ay_hbm.at[pl.ds(base, EPW)], ay_v)
    pltpu.sync_copy(dx_hbm, dx_v)
    pltpu.sync_copy(dy_hbm, dy_v)

    lane = lax.iota(jnp.int32, LANES)

    @pl.loop(0, G)
    def _(g):
        off = g * LANES
        e0 = pl.multiple_of(base + off, LANES)

        agx = ax_v[pl.ds(off, LANES)]
        agy = ay_v[pl.ds(off, LANES)]
        acts = act_v[pl.ds(off, LANES)]
        en = en_v[pl.ds(off, LANES)]

        ax = jnp.clip(agx, 1, W - 2)
        ay = jnp.clip(agy, 1, H - 2)
        dx = plsc.load_gather(dx_v, [acts])
        dy = plsc.load_gather(dy_v, [acts])
        nx = jnp.clip(ax + dx, 1, W - 2)
        ny = jnp.clip(ay + dy, 1, H - 2)

        cp = pltpu.async_copy(
            grids_hbm.at[:, :, wid, :, pl.ds(g * LANES, LANES)], slab_v, sem)
        cp.wait()

        tcf = plsc.load_gather(slab_v, [ny, nx >> 3, nx & 7, lane])
        blocked = (tcf * 4.0).astype(jnp.int32) == 1
        fx = jnp.where(blocked, ax, nx)
        fy = jnp.where(blocked, ay, ny)
        @pl.when(g > 0)
        def _():
            pltpu.make_async_copy(out_v, out_hbm.at[:, pl.ds(e0, LANES)],
                                  osem).wait()

        cur = plsc.load_gather(slab_v, [fy, fx >> 3, fx & 7, lane])
        lc = (cur * 4.0).astype(jnp.int32)
        food = lc == 2
        poison = lc == 3
        reward = jnp.where(food, 10.0, 0.0) - jnp.where(poison, 20.0, 0.0) - 0.1
        enc = (en + reward) / 100.0
        centerval = jnp.where(food | poison, 0.0, cur)

        col0 = fx - 5

        cols = []
        for j in range(VIEW):
            col = col0 + j
            cin = (col >= 0) & (col <= W - 1)
            colc = jnp.clip(col, 0, W - 1)
            cols.append((cin, colc >> 3, colc & 7))

        @pl.loop(0, VIEW)
        def _(k):
            row = fy + (k - 5)
            rin = (row >= 0) & (row <= H - 1)
            rowc = jnp.clip(row, 0, H - 1)
            for j in range(VIEW):
                p = k * VIEW + j
                cin, cxr, cxs = cols[j]
                inb = rin & cin
                v = plsc.load_gather(slab_v, [rowc, cxr, cxs, lane])
                patch = jnp.where(inb, v, 0.3)
                cell = (patch * 4.0).astype(jnp.int32)
                out_v[p, :] = patch
                out_v[PATCH + p, :] = jnp.where(cell == 1, 1.0, 0.0)
                out_v[2 * PATCH + p, :] = jnp.where(cell == 2, 1.0, 0.0)
                out_v[3 * PATCH + p, :] = jnp.where(cell == 3, 1.0, 0.0)
                out_v[4 * PATCH + p, :] = enc

        ccell = (centerval * 4.0).astype(jnp.int32)
        oc = 5 * VIEW + 5
        out_v[oc, :] = centerval
        out_v[PATCH + oc, :] = jnp.where(ccell == 1, 1.0, 0.0)
        out_v[2 * PATCH + oc, :] = jnp.where(ccell == 2, 1.0, 0.0)
        out_v[3 * PATCH + oc, :] = jnp.where(ccell == 3, 1.0, 0.0)

        pltpu.async_copy(out_v, out_hbm.at[:, pl.ds(e0, LANES)], osem)

    last = pl.multiple_of(base + (G - 1) * LANES, LANES)
    pltpu.make_async_copy(out_v, out_hbm.at[:, pl.ds(last, LANES)],
                          osem).wait()


def kernel(grids, agent_energy, actions, agent_x, agent_y):
    dx16 = jnp.array([0, 0, 0, -1, 1, -1, -1, 1, 1, 0, 0, 0, 0, 0, 0, 0],
                     jnp.int32)
    dy16 = jnp.array([0, -1, 1, 0, 0, -1, 1, -1, 1, 0, 0, 0, 0, 0, 0, 0],
                     jnp.int32)

    sc_fn = pl.kernel(
        _sc_body,
        out_type=jax.ShapeDtypeStruct((OUT_PER_ENV, N_ENVS), jnp.float32),
        mesh=plsc.VectorSubcoreMesh(core_axis_name="c", subcore_axis_name="s"),
        compiler_params=pltpu.CompilerParams(needs_layout_passes=False,
                                             use_tc_tiling_on_sc=False),
        scratch_types=[
            pltpu.VMEM((H, W // 8, 8, LANES), jnp.float32),
            pltpu.VMEM((OUT_PER_ENV, LANES), jnp.float32),
            pltpu.VMEM((EPW,), jnp.float32),
            pltpu.VMEM((EPW,), jnp.int32),
            pltpu.VMEM((EPW,), jnp.int32),
            pltpu.VMEM((EPW,), jnp.int32),
            pltpu.VMEM((LANES,), jnp.int32),
            pltpu.VMEM((LANES,), jnp.int32),
            pltpu.SemaphoreType.DMA,
            pltpu.SemaphoreType.DMA,
        ],
    )
    grids_b = (grids.transpose(1, 2, 0)
               .reshape(H, W // 8, 8, N_ENVS // 128, 128)
               .transpose(0, 1, 3, 2, 4))
    flat = sc_fn(grids_b, agent_energy,
                 actions.astype(jnp.int32),
                 agent_x.astype(jnp.int32),
                 agent_y.astype(jnp.int32),
                 dx16, dy16)
    return flat.reshape(5, VIEW, VIEW, N_ENVS).transpose(3, 0, 1, 2)

# --- scband reference (transcript-rebuilt; emitter-appended) ---
"""Pipeline reference for scband-torch-vec-env-20306605376168 (READ-ONLY COPY).

The authoritative reference and input builder live on the scoring server;
editing this copy changes nothing except your own understanding.
"""

import jax, jax.numpy as jnp
import numpy as np

N_ENVS = 4096
H = 64
W = 64
VIEW = 11
R = VIEW // 2
FOOD_REWARD = 10.0
POISON_PENALTY = 20.0
MOVE_COST = 0.1
# action deltas matching build_action_space(max_move_distance=1): stay + 8 neighbors
DELTAS = jnp.array([[0, 0], [0, -1], [0, 1], [-1, 0], [1, 0], [-1, -1], [-1, 1], [1, -1], [1, 1]], dtype=jnp.int32)


def setup_inputs(seed: int = 0):
    key = jax.random.key(seed)
    k1, k2, k3, k4, k5 = jax.random.split(key, 5)
    grids = jax.random.uniform(k1, (N_ENVS, H, W), dtype=jnp.float32)
    agent_energy = jax.random.uniform(k2, (N_ENVS,), dtype=jnp.float32) * 100.0
    actions = jax.random.randint(k3, (N_ENVS,), 0, 9)
    agent_x = jax.random.randint(k4, (N_ENVS,), 0, W)
    agent_y = jax.random.randint(k5, (N_ENVS,), 0, H)
    return {"grids": grids, "agent_energy": agent_energy, "actions": actions, "agent_x": agent_x, "agent_y": agent_y}


def _step(grids, agent_energy, actions, agent_x, agent_y):
    env = jnp.arange(N_ENVS)
    ax = jnp.clip(agent_x.astype(jnp.int32), 1, W - 2)
    ay = jnp.clip(agent_y.astype(jnp.int32), 1, H - 2)
    # discretize raw grid floats into cell types {0:EMPTY,1:WALL,2:FOOD,3:POISON}
    cells = jnp.floor(grids * 4.0)
    d = DELTAS[actions]
    nx = jnp.clip(ax + d[:, 0], 1, W - 2)
    ny = jnp.clip(ay + d[:, 1], 1, H - 2)
    tcell = cells[env, ny, nx]
    blocked = tcell == 1.0
    fx = jnp.where(blocked, ax, nx)
    fy = jnp.where(blocked, ay, ny)
    landed = cells[env, fy, fx]
    reward = jnp.where(landed == 2.0, FOOD_REWARD, 0.0) - jnp.where(landed == 3.0, POISON_PENALTY, 0.0) - MOVE_COST
    energy_new = agent_energy + reward
    consumed = (landed == 2.0) | (landed == 3.0)
    cur = grids[env, fy, fx]
    grids2 = grids.at[env, fy, fx].set(jnp.where(consumed, 0.0, cur))
    # extract egocentric view window via gather (pad with wall-valued border)
    padded = jnp.pad(grids2, ((0, 0), (R, R), (R, R)), constant_values=0.3)
    offs = jnp.arange(VIEW)
    ys = fy[:, None] + offs[None, :]
    xs = fx[:, None] + offs[None, :]
    patch = padded[env[:, None, None], ys[:, :, None], xs[:, None, :]]
    cpatch = jnp.floor(patch * 4.0)
    wall_c = (cpatch == 1.0).astype(jnp.float32)
    food_c = (cpatch == 2.0).astype(jnp.float32)
    poison_c = (cpatch == 3.0).astype(jnp.float32)
    energy_c = jnp.broadcast_to((energy_new / 100.0)[:, None, None], (N_ENVS, VIEW, VIEW))
    obs = jnp.stack([patch, wall_c, food_c, poison_c, energy_c], axis=1)
    return obs


def reference(grids, agent_energy, actions, agent_x, agent_y):
    return _step(grids, agent_energy, actions, agent_x, agent_y)

if __name__ == "__main__":
    import jax
    _d = setup_inputs()
    print(jax.jit(kernel)(*tuple(_d.values())))

</pallas_src>

<mosaic_0001>
#map = affine_map<(d0, d1) -> (0, 0, 0, 0, 0)>
#map1 = affine_map<(d0, d1) -> (0)>
#map2 = affine_map<(d0, d1) -> (0, 0)>
module attributes {stable_mosaic.version = 14 : i64} {
  func.func @_sc_body(%arg0: i32, %arg1: i32, %arg2: memref<64x8x32x8x128xf32, #tpu.memory_space<hbm>>, %arg3: memref<4096xf32, #tpu.memory_space<hbm>>, %arg4: memref<4096xi32, #tpu.memory_space<hbm>>, %arg5: memref<4096xi32, #tpu.memory_space<hbm>>, %arg6: memref<4096xi32, #tpu.memory_space<hbm>>, %arg7: memref<16xi32, #tpu.memory_space<hbm>>, %arg8: memref<16xi32, #tpu.memory_space<hbm>>, %arg9: memref<605x4096xf32, #tpu.memory_space<hbm>>, %arg10: memref<64x8x8x16xf32, #tpu.memory_space<vmem>>, %arg11: memref<605x16xf32, #tpu.memory_space<vmem>>, %arg12: memref<128xf32, #tpu.memory_space<vmem>>, %arg13: memref<128xi32, #tpu.memory_space<vmem>>, %arg14: memref<128xi32, #tpu.memory_space<vmem>>, %arg15: memref<128xi32, #tpu.memory_space<vmem>>, %arg16: memref<16xi32, #tpu.memory_space<vmem>>, %arg17: memref<16xi32, #tpu.memory_space<vmem>>, %arg18: memref<!tpu.dma_semaphore, #tpu.memory_space<semaphore_mem>>, %arg19: memref<!tpu.dma_semaphore, #tpu.memory_space<semaphore_mem>>) attributes {dimension_semantics = [#tpu.dimension_semantics<core_parallel>, #tpu.dimension_semantics<subcore_parallel>], iteration_bounds = array<i64: 2, 16>, scalar_prefetch = 0 : i64, scratch_operands = 10 : i64, tpu.core_type = #tpu.core_type<sc_vector_subcore>, window_params = [{transform_indices = #map}, {transform_indices = #map1}, {transform_indices = #map1}, {transform_indices = #map1}, {transform_indices = #map1}, {transform_indices = #map1}, {transform_indices = #map1}, {transform_indices = #map2}]} {
    %mul3A = arith.constant 2 : i32
    %mul3A_0 = arith.muli %arg1, %mul3A : i32
    %add3A = arith.addi %mul3A_0, %arg0 : i32
    %mul3A_1 = arith.constant 128 : i32
    %mul3A_2 = arith.muli %add3A, %mul3A_1 : i32
    %multiple_of3A = tpu.assume_multiple %mul3A_2, 128 : i32
    "tpu.region"() ({
      %run_scoped3A = tpu.sem_alloc : memref<!tpu.dma_semaphore, #tpu.memory_space<semaphore_mem>>
      %dma_start3A = tpu.memref_slice %arg3[%multiple_of3A] : memref<4096xf32, #tpu.memory_space<hbm>> -> memref<128xf32, #tpu.memory_space<hbm>>
      %dma_start3A_13 = tpu.memref_slice %arg3[%multiple_of3A] : memref<4096xf32, #tpu.memory_space<hbm>> -> memref<128xf32, #tpu.memory_space<hbm>>
      tpu.enqueue_dma source(%dma_start3A_13 : memref<128xf32, #tpu.memory_space<hbm>>) target(%arg12 : memref<128xf32, #tpu.memory_space<vmem>>) target_semaphore(%run_scoped3A : memref<!tpu.dma_semaphore, #tpu.memory_space<semaphore_mem>>)
      %dma_wait3A_14 = tpu.memref_slice %arg3[%multiple_of3A] : memref<4096xf32, #tpu.memory_space<hbm>> -> memref<128xf32, #tpu.memory_space<hbm>>
      %dma_wait3A_15 = tpu.memref_slice %arg3[%multiple_of3A] : memref<4096xf32, #tpu.memory_space<hbm>> -> memref<128xf32, #tpu.memory_space<hbm>>
      tpu.wait_dma2 semaphore(%run_scoped3A : memref<!tpu.dma_semaphore, #tpu.memory_space<semaphore_mem>>) src(%dma_wait3A_15 : memref<128xf32, #tpu.memory_space<hbm>>) dst(%arg12 : memref<128xf32, #tpu.memory_space<vmem>>)
      tpu.yield
    }) : () -> ()
    "tpu.region"() ({
      %run_scoped3A = tpu.sem_alloc : memref<!tpu.dma_semaphore, #tpu.memory_space<semaphore_mem>>
      %dma_start3A = tpu.memref_slice %arg4[%multiple_of3A] : memref<4096xi32, #tpu.memory_space<hbm>> -> memref<128xi32, #tpu.memory_space<hbm>>
      %dma_start3A_13 = tpu.memref_slice %arg4[%multiple_of3A] : memref<4096xi32, #tpu.memory_space<hbm>> -> memref<128xi32, #tpu.memory_space<hbm>>
      tpu.enqueue_dma source(%dma_start3A_13 : memref<128xi32, #tpu.memory_space<hbm>>) target(%arg13 : memref<128xi32, #tpu.memory_space<vmem>>) target_semaphore(%run_scoped3A : memref<!tpu.dma_semaphore, #tpu.memory_space<semaphore_mem>>)
      %dma_wait3A_14 = tpu.memref_slice %arg4[%multiple_of3A] : memref<4096xi32, #tpu.memory_space<hbm>> -> memref<128xi32, #tpu.memory_space<hbm>>
      %dma_wait3A_15 = tpu.memref_slice %arg4[%multiple_of3A] : memref<4096xi32, #tpu.memory_space<hbm>> -> memref<128xi32, #tpu.memory_space<hbm>>
      tpu.wait_dma2 semaphore(%run_scoped3A : memref<!tpu.dma_semaphore, #tpu.memory_space<semaphore_mem>>) src(%dma_wait3A_15 : memref<128xi32, #tpu.memory_space<hbm>>) dst(%arg13 : memref<128xi32, #tpu.memory_space<vmem>>)
      tpu.yield
    }) : () -> ()
    "tpu.region"() ({
      %run_scoped3A = tpu.sem_alloc : memref<!tpu.dma_semaphore, #tpu.memory_space<semaphore_mem>>
      %dma_start3A = tpu.memref_slice %arg5[%multiple_of3A] : memref<4096xi32, #tpu.memory_space<hbm>> -> memref<128xi32, #tpu.memory_space<hbm>>
      %dma_start3A_13 = tpu.memref_slice %arg5[%multiple_of3A] : memref<4096xi32, #tpu.memory_space<hbm>> -> memref<128xi32, #tpu.memory_space<hbm>>
      tpu.enqueue_dma source(%dma_start3A_13 : memref<128xi32, #tpu.memory_space<hbm>>) target(%arg14 : memref<128xi32, #tpu.memory_space<vmem>>) target_semaphore(%run_scoped3A : memref<!tpu.dma_semaphore, #tpu.memory_space<semaphore_mem>>)
      %dma_wait3A_14 = tpu.memref_slice %arg5[%multiple_of3A] : memref<4096xi32, #tpu.memory_space<hbm>> -> memref<128xi32, #tpu.memory_space<hbm>>
      %dma_wait3A_15 = tpu.memref_slice %arg5[%multiple_of3A] : memref<4096xi32, #tpu.memory_space<hbm>> -> memref<128xi32, #tpu.memory_space<hbm>>
      tpu.wait_dma2 semaphore(%run_scoped3A : memref<!tpu.dma_semaphore, #tpu.memory_space<semaphore_mem>>) src(%dma_wait3A_15 : memref<128xi32, #tpu.memory_space<hbm>>) dst(%arg14 : memref<128xi32, #tpu.memory_space<vmem>>)
      tpu.yield
    }) : () -> ()
    "tpu.region"() ({
      %run_scoped3A = tpu.sem_alloc : memref<!tpu.dma_semaphore, #tpu.memory_space<semaphore_mem>>
      %dma_start3A = tpu.memref_slice %arg6[%multiple_of3A] : memref<4096xi32, #tpu.memory_space<hbm>> -> memref<128xi32, #tpu.memory_space<hbm>>
      %dma_start3A_13 = tpu.memref_slice %arg6[%multiple_of3A] : memref<4096xi32, #tpu.memory_space<hbm>> -> memref<128xi32, #tpu.memory_space<hbm>>
      tpu.enqueue_dma source(%dma_start3A_13 : memref<128xi32, #tpu.memory_space<hbm>>) target(%arg15 : memref<128xi32, #tpu.memory_space<vmem>>) target_semaphore(%run_scoped3A : memref<!tpu.dma_semaphore, #tpu.memory_space<semaphore_mem>>)
      %dma_wait3A_14 = tpu.memref_slice %arg6[%multiple_of3A] : memref<4096xi32, #tpu.memory_space<hbm>> -> memref<128xi32, #tpu.memory_space<hbm>>
      %dma_wait3A_15 = tpu.memref_slice %arg6[%multiple_of3A] : memref<4096xi32, #tpu.memory_space<hbm>> -> memref<128xi32, #tpu.memory_space<hbm>>
      tpu.wait_dma2 semaphore(%run_scoped3A : memref<!tpu.dma_semaphore, #tpu.memory_space<semaphore_mem>>) src(%dma_wait3A_15 : memref<128xi32, #tpu.memory_space<hbm>>) dst(%arg15 : memref<128xi32, #tpu.memory_space<vmem>>)
      tpu.yield
    }) : () -> ()
    "tpu.region"() ({
      %run_scoped3A = tpu.sem_alloc : memref<!tpu.dma_semaphore, #tpu.memory_space<semaphore_mem>>
      tpu.enqueue_dma source(%arg7 : memref<16xi32, #tpu.memory_space<hbm>>) target(%arg16 : memref<16xi32, #tpu.memory_space<vmem>>) target_semaphore(%run_scoped3A : memref<!tpu.dma_semaphore, #tpu.memory_space<semaphore_mem>>)
      tpu.wait_dma2 semaphore(%run_scoped3A : memref<!tpu.dma_semaphore, #tpu.memory_space<semaphore_mem>>) src(%arg7 : memref<16xi32, #tpu.memory_space<hbm>>) dst(%arg16 : memref<16xi32, #tpu.memory_space<vmem>>)
      tpu.yield
    }) : () -> ()
    "tpu.region"() ({
      %run_scoped3A = tpu.sem_alloc : memref<!tpu.dma_semaphore, #tpu.memory_space<semaphore_mem>>
      tpu.enqueue_dma source(%arg8 : memref<16xi32, #tpu.memory_space<hbm>>) target(%arg17 : memref<16xi32, #tpu.memory_space<vmem>>) target_semaphore(%run_scoped3A : memref<!tpu.dma_semaphore, #tpu.memory_space<semaphore_mem>>)
      tpu.wait_dma2 semaphore(%run_scoped3A : memref<!tpu.dma_semaphore, #tpu.memory_space<semaphore_mem>>) src(%arg8 : memref<16xi32, #tpu.memory_space<hbm>>) dst(%arg17 : memref<16xi32, #tpu.memory_space<vmem>>)
      tpu.yield
    }) : () -> ()
    %iota3A = tpu.iota {dimensions = array<i32: 0>} : vector<16xi32>
    %scan3A = arith.constant 0 : i32
    %scan3A_3 = arith.constant 8 : i32
    %scan3A_4 = arith.addi %scan3A, %scan3A_3 : i32
    %scan3A_5 = arith.constant 1 : i32
    scf.for %scan3A_13 = %scan3A to %scan3A_4 step %scan3A_5  : i32 {
      %mul3A_14 = arith.constant 1 : i32
      %mul3A_15 = arith.muli %scan3A_13, %mul3A_14 : i32
      %add3A_16 = arith.constant 0 : i32
      %add3A_17 = arith.addi %add3A_16, %mul3A_15 : i32
      %mul3A_18 = arith.constant 16 : i32
      %mul3A_19 = arith.muli %add3A_17, %mul3A_18 : i32
      %add3A_20 = arith.addi %multiple_of3A, %mul3A_19 : i32
      %multiple_of3A_21 = tpu.assume_multiple %add3A_20, 16 : i32
      %get3A = arith.index_cast %mul3A_19 : i32 to index
      %get3A_22 = tpu.vector_load %arg14[%get3A] {strides = array<i32>} : memref<128xi32, #tpu.memory_space<vmem>>, vector<16xi32>,
      %get3A_23 = arith.index_cast %mul3A_19 : i32 to index
      %get3A_24 = tpu.vector_load %arg15[%get3A_23] {strides = array<i32>} : memref<128xi32, #tpu.memory_space<vmem>>, vector<16xi32>,
      %get3A_25 = arith.index_cast %mul3A_19 : i32 to index
      %get3A_26 = tpu.vector_load %arg13[%get3A_25] {strides = array<i32>} : memref<128xi32, #tpu.memory_space<vmem>>, vector<16xi32>,
      %get3A_27 = arith.index_cast %mul3A_19 : i32 to index
      %get3A_28 = tpu.vector_load %arg12[%get3A_27] {strides = array<i32>} : memref<128xf32, #tpu.memory_space<vmem>>, vector<16xf32>,
      %jit3A = arith.constant 1 : i32
      %jit3A_29 = arith.constant 62 : i32
      %max3A = vector.broadcast %jit3A : i32 to vector<16xi32>
      %max3A_30 = arith.maxsi %max3A, %get3A_22 : vector<16xi32>
      %min3A = vector.broadcast %jit3A_29 : i32 to vector<16xi32>
      %min3A_31 = arith.minsi %min3A, %max3A_30 : vector<16xi32>
      %jit3A_32 = arith.constant 1 : i32
      %jit3A_33 = arith.constant 62 : i32
      %max3A_34 = vector.broadcast %jit3A_32 : i32 to vector<16xi32>
      %max3A_35 = arith.maxsi %max3A_34, %get3A_24 : vector<16xi32>
      %min3A_36 = vector.broadcast %jit3A_33 : i32 to vector<16xi32>
      %min3A_37 = arith.minsi %min3A_36, %max3A_35 : vector<16xi32>
      %gather3A = tpu.vector_load_idx %arg16[%get3A_26] : memref<16xi32, #tpu.memory_space<vmem>>[vector<16xi32>], vector<16xi32>,
      %gather3A_38 = tpu.vector_load_idx %arg17[%get3A_26] : memref<16xi32, #tpu.memory_space<vmem>>[vector<16xi32>], vector<16xi32>,
      %add3A_39 = arith.addi %min3A_31, %gather3A : vector<16xi32>
      %jit3A_40 = arith.constant 1 : i32
      %jit3A_41 = arith.constant 62 : i32
      %max3A_42 = vector.broadcast %jit3A_40 : i32 to vector<16xi32>
      %max3A_43 = arith.maxsi %max3A_42, %add3A_39 : vector<16xi32>
      %min3A_44 = vector.broadcast %jit3A_41 : i32 to vector<16xi32>
      %min3A_45 = arith.minsi %min3A_44, %max3A_43 : vector<16xi32>
      %add3A_46 = arith.addi %min3A_37, %gather3A_38 : vector<16xi32>
      %jit3A_47 = arith.constant 1 : i32
      %jit3A_48 = arith.constant 62 : i32
      %max3A_49 = vector.broadcast %jit3A_47 : i32 to vector<16xi32>
      %max3A_50 = arith.maxsi %max3A_49, %add3A_46 : vector<16xi32>
      %min3A_51 = vector.broadcast %jit3A_48 : i32 to vector<16xi32>
      %min3A_52 = arith.minsi %min3A_51, %max3A_50 : vector<16xi32>
      %mul3A_53 = arith.constant 16 : i32
      %mul3A_54 = arith.muli %add3A_17, %mul3A_53 : i32
      %dma_start3A = arith.constant 0 : i32
      %dma_start3A_55 = arith.constant 0 : i32
      %dma_start3A_56 = arith.constant 0 : i32
      %dma_start3A_57 = tpu.memref_slice %arg2[%dma_start3A, %dma_start3A_55, %add3A, %dma_start3A_56, %mul3A_54] : memref<64x8x32x8x128xf32, #tpu.memory_space<hbm>> -> memref<64x8x1x8x16xf32, #tpu.memory_space<hbm>>
      %dma_start3A_58 = tpu.memref_squeeze %dma_start3A_57 : memref<64x8x1x8x16xf32, #tpu.memory_space<hbm>> -> memref<64x8x8x16xf32, #tpu.memory_space<hbm>>
      %dma_start3A_59 = arith.constant 0 : i32
      %dma_start3A_60 = arith.constant 0 : i32
      %dma_start3A_61 = arith.constant 0 : i32
      %dma_start3A_62 = tpu.memref_slice %arg2[%dma_start3A_59, %dma_start3A_60, %add3A, %dma_start3A_61, %mul3A_54] : memref<64x8x32x8x128xf32, #tpu.memory_space<hbm>> -> memref<64x8x1x8x16xf32, #tpu.memory_space<hbm>>
      %dma_start3A_63 = tpu.memref_squeeze %dma_start3A_62 : memref<64x8x1x8x16xf32, #tpu.memory_space<hbm>> -> memref<64x8x8x16xf32, #tpu.memory_space<hbm>>
      tpu.enqueue_dma source(%dma_start3A_63 : memref<64x8x8x16xf32, #tpu.memory_space<hbm>>) target(%arg10 : memref<64x8x8x16xf32, #tpu.memory_space<vmem>>) target_semaphore(%arg18 : memref<!tpu.dma_semaphore, #tpu.memory_space<semaphore_mem>>)
      %dma_wait3A_64 = arith.constant 0 : i32
      %dma_wait3A_65 = arith.constant 0 : i32
      %dma_wait3A_66 = arith.constant 0 : i32
      %dma_wait3A_67 = tpu.memref_slice %arg2[%dma_wait3A_64, %dma_wait3A_65, %add3A, %dma_wait3A_66, %mul3A_54] : memref<64x8x32x8x128xf32, #tpu.memory_space<hbm>> -> memref<64x8x1x8x16xf32, #tpu.memory_space<hbm>>
      %dma_wait3A_68 = tpu.memref_squeeze %dma_wait3A_67 : memref<64x8x1x8x16xf32, #tpu.memory_space<hbm>> -> memref<64x8x8x16xf32, #tpu.memory_space<hbm>>
      %dma_wait3A_69 = arith.constant 0 : i32
      %dma_wait3A_70 = arith.constant 0 : i32
      %dma_wait3A_71 = arith.constant 0 : i32
      %dma_wait3A_72 = tpu.memref_slice %arg2[%dma_wait3A_69, %dma_wait3A_70, %add3A, %dma_wait3A_71, %mul3A_54] : memref<64x8x32x8x128xf32, #tpu.memory_space<hbm>> -> memref<64x8x1x8x16xf32, #tpu.memory_space<hbm>>
      %dma_wait3A_73 = tpu.memref_squeeze %dma_wait3A_72 : memref<64x8x1x8x16xf32, #tpu.memory_space<hbm>> -> memref<64x8x8x16xf32, #tpu.memory_space<hbm>>
      tpu.wait_dma2 semaphore(%arg18 : memref<!tpu.dma_semaphore, #tpu.memory_space<semaphore_mem>>) src(%dma_wait3A_73 : memref<64x8x8x16xf32, #tpu.memory_space<hbm>>) dst(%arg10 : memref<64x8x8x16xf32, #tpu.memory_space<vmem>>)
      %shift_right_arithmetic3A = arith.constant 3 : i32
      %shift_right_arithmetic3A_74 = vector.broadcast %shift_right_arithmetic3A : i32 to vector<16xi32>
      %shift_right_arithmetic3A_75 = arith.shrsi %min3A_45, %shift_right_arithmetic3A_74 : vector<16xi32>
      %and3A = arith.constant 7 : i32
      %and3A_76 = vector.broadcast %and3A : i32 to vector<16xi32>
      %and3A_77 = arith.andi %min3A_45, %and3A_76 : vector<16xi32>
      %gather3A_78 = tpu.vector_load_idx %arg10[%min3A_52, %shift_right_arithmetic3A_75, %and3A_77, %iota3A] : memref<64x8x8x16xf32, #tpu.memory_space<vmem>>[vector<16xi32>, vector<16xi32>, vector<16xi32>, vector<16xi32>], vector<16xf32>,
      %mul3A_79 = arith.constant 4.000000e+00 : f32
      %mul3A_80 = vector.broadcast %mul3A_79 : f32 to vector<16xf32>
      %mul3A_81 = arith.mulf %gather3A_78, %mul3A_80 : vector<16xf32>
      %convert_element_type3A = arith.fptosi %mul3A_81 : vector<16xf32> to vector<16xi32>
      %eq3A = arith.constant 1 : i32
      %eq3A_82 = vector.broadcast %eq3A : i32 to vector<16xi32>
      %eq3A_83 = arith.cmpi eq, %convert_element_type3A, %eq3A_82 : vector<16xi32>
      %select_n3A = arith.select %eq3A_83, %min3A_31, %min3A_45 : vector<16xi1>, vector<16xi32>
      %select_n3A_84 = arith.select %eq3A_83, %min3A_37, %min3A_52 : vector<16xi1>, vector<16xi32>
      %gt3A = arith.constant 0 : i32
      %gt3A_85 = arith.cmpi sgt, %add3A_17, %gt3A : i32
      %convert_element_type3A_86 = arith.extui %gt3A_85 : i1 to i32
      %cond3A = arith.constant 0 : i32
      %cond3A_87 = arith.cmpi ne, %convert_element_type3A_86, %cond3A : i32
      scf.if %cond3A_87 {
        %dma_wait3A_418 = arith.constant 0 : i32
        %dma_wait3A_419 = tpu.memref_slice %arg9[%dma_wait3A_418, %multiple_of3A_21] : memref<605x4096xf32, #tpu.memory_space<hbm>> -> memref<605x16xf32, #tpu.memory_space<hbm>>
        %dma_wait3A_420 = arith.constant 0 : i32
        %dma_wait3A_421 = tpu.memref_slice %arg9[%dma_wait3A_420, %multiple_of3A_21] : memref<605x4096xf32, #tpu.memory_space<hbm>> -> memref<605x16xf32, #tpu.memory_space<hbm>>
        tpu.wait_dma2 semaphore(%arg19 : memref<!tpu.dma_semaphore, #tpu.memory_space<semaphore_mem>>) src(%arg11 : memref<605x16xf32, #tpu.memory_space<vmem>>) dst(%dma_wait3A_421 : memref<605x16xf32, #tpu.memory_space<hbm>>)
      } else {
      }
      %shift_right_arithmetic3A_88 = arith.constant 3 : i32
      %shift_right_arithmetic3A_89 = vector.broadcast %shift_right_arithmetic3A_88 : i32 to vector<16xi32>
      %shift_right_arithmetic3A_90 = arith.shrsi %select_n3A, %shift_right_arithmetic3A_89 : vector<16xi32>
      %and3A_91 = arith.constant 7 : i32
      %and3A_92 = vector.broadcast %and3A_91 : i32 to vector<16xi32>
      %and3A_93 = arith.andi %select_n3A, %and3A_92 : vector<16xi32>
      %gather3A_94 = tpu.vector_load_idx %arg10[%select_n3A_84, %shift_right_arithmetic3A_90, %and3A_93, %iota3A] : memref<64x8x8x16xf32, #tpu.memory_space<vmem>>[vector<16xi32>, vector<16xi32>, vector<16xi32>, vector<16xi32>], vector<16xf32>,
      %mul3A_95 = arith.constant 4.000000e+00 : f32
      %mul3A_96 = vector.broadcast %mul3A_95 : f32 to vector<16xf32>
      %mul3A_97 = arith.mulf %gather3A_94, %mul3A_96 : vector<16xf32>
      %convert_element_type3A_98 = arith.fptosi %mul3A_97 : vector<16xf32> to vector<16xi32>
      %eq3A_99 = arith.constant 2 : i32
      %eq3A_100 = vector.broadcast %eq3A_99 : i32 to vector<16xi32>
      %eq3A_101 = arith.cmpi eq, %convert_element_type3A_98, %eq3A_100 : vector<16xi32>
      %eq3A_102 = arith.constant 3 : i32
      %eq3A_103 = vector.broadcast %eq3A_102 : i32 to vector<16xi32>
      %eq3A_104 = arith.cmpi eq, %convert_element_type3A_98, %eq3A_103 : vector<16xi32>
      %jit3A_105 = arith.constant 1.000000e+01 : f32
      %jit3A_106 = arith.constant 0.000000e+00 : f32
      %broadcast_in_dim3A = vector.broadcast %jit3A_105 : f32 to vector<16xf32>
      %broadcast_in_dim3A_107 = vector.broadcast %jit3A_106 : f32 to vector<16xf32>
      %select_n3A_108 = arith.select %eq3A_101, %broadcast_in_dim3A, %broadcast_in_dim3A_107 : vector<16xi1>, vector<16xf32>
      %jit3A_109 = arith.constant 2.000000e+01 : f32
      %jit3A_110 = arith.constant 0.000000e+00 : f32
      %broadcast_in_dim3A_111 = vector.broadcast %jit3A_109 : f32 to vector<16xf32>
      %broadcast_in_dim3A_112 = vector.broadcast %jit3A_110 : f32 to vector<16xf32>
      %select_n3A_113 = arith.select %eq3A_104, %broadcast_in_dim3A_111, %broadcast_in_dim3A_112 : vector<16xi1>, vector<16xf32>
      %sub3A = arith.subf %select_n3A_108, %select_n3A_113 : vector<16xf32>
      %sub3A_114 = arith.constant 1.000000e-01 : f32
      %sub3A_115 = vector.broadcast %sub3A_114 : f32 to vector<16xf32>
      %sub3A_116 = arith.subf %sub3A, %sub3A_115 : vector<16xf32>
      %add3A_117 = arith.addf %get3A_28, %sub3A_116 : vector<16xf32>
      %div3A = arith.constant 1.000000e+02 : f32
      %div3A_118 = vector.broadcast %div3A : f32 to vector<16xf32>
      %div3A_119 = arith.divf %add3A_117, %div3A_118 : vector<16xf32>
      %or3A = arith.ori %eq3A_101, %eq3A_104 : vector<16xi1>
      %jit3A_120 = arith.constant 0.000000e+00 : f32
      %broadcast_in_dim3A_121 = vector.broadcast %jit3A_120 : f32 to vector<16xf32>
      %select_n3A_122 = arith.select %or3A, %broadcast_in_dim3A_121, %gather3A_94 : vector<16xi1>, vector<16xf32>
      %sub3A_123 = arith.constant 5 : i32
      %sub3A_124 = vector.broadcast %sub3A_123 : i32 to vector<16xi32>
      %sub3A_125 = arith.subi %select_n3A, %sub3A_124 : vector<16xi32>
      %add3A_126 = arith.constant 0 : i32
      %add3A_127 = vector.broadcast %add3A_126 : i32 to vector<16xi32>
      %add3A_128 = arith.addi %sub3A_125, %add3A_127 : vector<16xi32>
      %ge3A = arith.constant 0 : i32
      %ge3A_129 = vector.broadcast %ge3A : i32 to vector<16xi32>
      %ge3A_130 = arith.cmpi sge, %add3A_128, %ge3A_129 : vector<16xi32>
      %le3A = arith.constant 63 : i32
      %le3A_131 = vector.broadcast %le3A : i32 to vector<16xi32>
      %le3A_132 = arith.cmpi sle, %add3A_128, %le3A_131 : vector<16xi32>
      %and3A_133 = arith.andi %ge3A_130, %le3A_132 : vector<16xi1>
      %jit3A_134 = arith.constant 0 : i32
      %jit3A_135 = arith.constant 63 : i32
      %max3A_136 = vector.broadcast %jit3A_134 : i32 to vector<16xi32>
      %max3A_137 = arith.maxsi %max3A_136, %add3A_128 : vector<16xi32>
      %min3A_138 = vector.broadcast %jit3A_135 : i32 to vector<16xi32>
      %min3A_139 = arith.minsi %min3A_138, %max3A_137 : vector<16xi32>
      %shift_right_arithmetic3A_140 = arith.constant 3 : i32
      %shift_right_arithmetic3A_141 = vector.broadcast %shift_right_arithmetic3A_140 : i32 to vector<16xi32>
      %shift_right_arithmetic3A_142 = arith.shrsi %min3A_139, %shift_right_arithmetic3A_141 : vector<16xi32>
      %and3A_143 = arith.constant 7 : i32
      %and3A_144 = vector.broadcast %and3A_143 : i32 to vector<16xi32>
      %and3A_145 = arith.andi %min3A_139, %and3A_144 : vector<16xi32>
      %add3A_146 = arith.constant 1 : i32
      %add3A_147 = vector.broadcast %add3A_146 : i32 to vector<16xi32>
      %add3A_148 = arith.addi %sub3A_125, %add3A_147 : vector<16xi32>
      %ge3A_149 = arith.constant 0 : i32
      %ge3A_150 = vector.broadcast %ge3A_149 : i32 to vector<16xi32>
      %ge3A_151 = arith.cmpi sge, %add3A_148, %ge3A_150 : vector<16xi32>
      %le3A_152 = arith.constant 63 : i32
      %le3A_153 = vector.broadcast %le3A_152 : i32 to vector<16xi32>
      %le3A_154 = arith.cmpi sle, %add3A_148, %le3A_153 : vector<16xi32>
      %and3A_155 = arith.andi %ge3A_151, %le3A_154 : vector<16xi1>
      %jit3A_156 = arith.constant 0 : i32
      %jit3A_157 = arith.constant 63 : i32
      %max3A_158 = vector.broadcast %jit3A_156 : i32 to vector<16xi32>
      %max3A_159 = arith.maxsi %max3A_158, %add3A_148 : vector<16xi32>
      %min3A_160 = vector.broadcast %jit3A_157 : i32 to vector<16xi32>
      %min3A_161 = arith.minsi %min3A_160, %max3A_159 : vector<16xi32>
      %shift_right_arithmetic3A_162 = arith.constant 3 : i32
      %shift_right_arithmetic3A_163 = vector.broadcast %shift_right_arithmetic3A_162 : i32 to vector<16xi32>
      %shift_right_arithmetic3A_164 = arith.shrsi %min3A_161, %shift_right_arithmetic3A_163 : vector<16xi32>
      %and3A_165 = arith.constant 7 : i32
      %and3A_166 = vector.broadcast %and3A_165 : i32 to vector<16xi32>
      %and3A_167 = arith.andi %min3A_161, %and3A_166 : vector<16xi32>
      %add3A_168 = arith.constant 2 : i32
      %add3A_169 = vector.broadcast %add3A_168 : i32 to vector<16xi32>
      %add3A_170 = arith.addi %sub3A_125, %add3A_169 : vector<16xi32>
      %ge3A_171 = arith.constant 0 : i32
      %ge3A_172 = vector.broadcast %ge3A_171 : i32 to vector<16xi32>
      %ge3A_173 = arith.cmpi sge, %add3A_170, %ge3A_172 : vector<16xi32>
      %le3A_174 = arith.constant 63 : i32
      %le3A_175 = vector.broadcast %le3A_174 : i32 to vector<16xi32>
      %le3A_176 = arith.cmpi sle, %add3A_170, %le3A_175 : vector<16xi32>
      %and3A_177 = arith.andi %ge3A_173, %le3A_176 : vector<16xi1>
      %jit3A_178 = arith.constant 0 : i32
      %jit3A_179 = arith.constant 63 : i32
      %max3A_180 = vector.broadcast %jit3A_178 : i32 to vector<16xi32>
      %max3A_181 = arith.maxsi %max3A_180, %add3A_170 : vector<16xi32>
      %min3A_182 = vector.broadcast %jit3A_179 : i32 to vector<16xi32>
      %min3A_183 = arith.minsi %min3A_182, %max3A_181 : vector<16xi32>
      %shift_right_arithmetic3A_184 = arith.constant 3 : i32
      %shift_right_arithmetic3A_185 = vector.broadcast %shift_right_arithmetic3A_184 : i32 to vector<16xi32>
      %shift_right_arithmetic3A_186 = arith.shrsi %min3A_183, %shift_right_arithmetic3A_185 : vector<16xi32>
      %and3A_187 = arith.constant 7 : i32
      %and3A_188 = vector.broadcast %and3A_187 : i32 to vector<16xi32>
      %and3A_189 = arith.andi %min3A_183, %and3A_188 : vector<16xi32>
      %add3A_190 = arith.constant 3 : i32
      %add3A_191 = vector.broadcast %add3A_190 : i32 to vector<16xi32>
      %add3A_192 = arith.addi %sub3A_125, %add3A_191 : vector<16xi32>
      %ge3A_193 = arith.constant 0 : i32
      %ge3A_194 = vector.broadcast %ge3A_193 : i32 to vector<16xi32>
      %ge3A_195 = arith.cmpi sge, %add3A_192, %ge3A_194 : vector<16xi32>
      %le3A_196 = arith.constant 63 : i32
      %le3A_197 = vector.broadcast %le3A_196 : i32 to vector<16xi32>
      %le3A_198 = arith.cmpi sle, %add3A_192, %le3A_197 : vector<16xi32>
      %and3A_199 = arith.andi %ge3A_195, %le3A_198 : vector<16xi1>
      %jit3A_200 = arith.constant 0 : i32
      %jit3A_201 = arith.constant 63 : i32
      %max3A_202 = vector.broadcast %jit3A_200 : i32 to vector<16xi32>
      %max3A_203 = arith.maxsi %max3A_202, %add3A_192 : vector<16xi32>
      %min3A_204 = vector.broadcast %jit3A_201 : i32 to vector<16xi32>
      %min3A_205 = arith.minsi %min3A_204, %max3A_203 : vector<16xi32>
      %shift_right_arithmetic3A_206 = arith.constant 3 : i32
      %shift_right_arithmetic3A_207 = vector.broadcast %shift_right_arithmetic3A_206 : i32 to vector<16xi32>
      %shift_right_arithmetic3A_208 = arith.shrsi %min3A_205, %shift_right_arithmetic3A_207 : vector<16xi32>
      %and3A_209 = arith.constant 7 : i32
      %and3A_210 = vector.broadcast %and3A_209 : i32 to vector<16xi32>
      %and3A_211 = arith.andi %min3A_205, %and3A_210 : vector<16xi32>
      %add3A_212 = arith.constant 4 : i32
      %add3A_213 = vector.broadcast %add3A_212 : i32 to vector<16xi32>
      %add3A_214 = arith.addi %sub3A_125, %add3A_213 : vector<16xi32>
      %ge3A_215 = arith.constant 0 : i32
      %ge3A_216 = vector.broadcast %ge3A_215 : i32 to vector<16xi32>
      %ge3A_217 = arith.cmpi sge, %add3A_214, %ge3A_216 : vector<16xi32>
      %le3A_218 = arith.constant 63 : i32
      %le3A_219 = vector.broadcast %le3A_218 : i32 to vector<16xi32>
      %le3A_220 = arith.cmpi sle, %add3A_214, %le3A_219 : vector<16xi32>
      %and3A_221 = arith.andi %ge3A_217, %le3A_220 : vector<16xi1>
      %jit3A_222 = arith.constant 0 : i32
      %jit3A_223 = arith.constant 63 : i32
      %max3A_224 = vector.broadcast %jit3A_222 : i32 to vector<16xi32>
      %max3A_225 = arith.maxsi %max3A_224, %add3A_214 : vector<16xi32>
      %min3A_226 = vector.broadcast %jit3A_223 : i32 to vector<16xi32>
      %min3A_227 = arith.minsi %min3A_226, %max3A_225 : vector<16xi32>
      %shift_right_arithmetic3A_228 = arith.constant 3 : i32
      %shift_right_arithmetic3A_229 = vector.broadcast %shift_right_arithmetic3A_228 : i32 to vector<16xi32>
      %shift_right_arithmetic3A_230 = arith.shrsi %min3A_227, %shift_right_arithmetic3A_229 : vector<16xi32>
      %and3A_231 = arith.constant 7 : i32
      %and3A_232 = vector.broadcast %and3A_231 : i32 to vector<16xi32>
      %and3A_233 = arith.andi %min3A_227, %and3A_232 : vector<16xi32>
      %add3A_234 = arith.constant 5 : i32
      %add3A_235 = vector.broadcast %add3A_234 : i32 to vector<16xi32>
      %add3A_236 = arith.addi %sub3A_125, %add3A_235 : vector<16xi32>
      %ge3A_237 = arith.constant 0 : i32
      %ge3A_238 = vector.broadcast %ge3A_237 : i32 to vector<16xi32>
      %ge3A_239 = arith.cmpi sge, %add3A_236, %ge3A_238 : vector<16xi32>
      %le3A_240 = arith.constant 63 : i32
      %le3A_241 = vector.broadcast %le3A_240 : i32 to vector<16xi32>
      %le3A_242 = arith.cmpi sle, %add3A_236, %le3A_241 : vector<16xi32>
      %and3A_243 = arith.andi %ge3A_239, %le3A_242 : vector<16xi1>
      %jit3A_244 = arith.constant 0 : i32
      %jit3A_245 = arith.constant 63 : i32
      %max3A_246 = vector.broadcast %jit3A_244 : i32 to vector<16xi32>
      %max3A_247 = arith.maxsi %max3A_246, %add3A_236 : vector<16xi32>
      %min3A_248 = vector.broadcast %jit3A_245 : i32 to vector<16xi32>
      %min3A_249 = arith.minsi %min3A_248, %max3A_247 : vector<16xi32>
      %shift_right_arithmetic3A_250 = arith.constant 3 : i32
      %shift_right_arithmetic3A_251 = vector.broadcast %shift_right_arithmetic3A_250 : i32 to vector<16xi32>
      %shift_right_arithmetic3A_252 = arith.shrsi %min3A_249, %shift_right_arithmetic3A_251 : vector<16xi32>
      %and3A_253 = arith.constant 7 : i32
      %and3A_254 = vector.broadcast %and3A_253 : i32 to vector<16xi32>
      %and3A_255 = arith.andi %min3A_249, %and3A_254 : vector<16xi32>
      %add3A_256 = arith.constant 6 : i32
      %add3A_257 = vector.broadcast %add3A_256 : i32 to vector<16xi32>
      %add3A_258 = arith.addi %sub3A_125, %add3A_257 : vector<16xi32>
      %ge3A_259 = arith.constant 0 : i32
      %ge3A_260 = vector.broadcast %ge3A_259 : i32 to vector<16xi32>
      %ge3A_261 = arith.cmpi sge, %add3A_258, %ge3A_260 : vector<16xi32>
      %le3A_262 = arith.constant 63 : i32
      %le3A_263 = vector.broadcast %le3A_262 : i32 to vector<16xi32>
      %le3A_264 = arith.cmpi sle, %add3A_258, %le3A_263 : vector<16xi32>
      %and3A_265 = arith.andi %ge3A_261, %le3A_264 : vector<16xi1>
      %jit3A_266 = arith.constant 0 : i32
      %jit3A_267 = arith.constant 63 : i32
      %max3A_268 = vector.broadcast %jit3A_266 : i32 to vector<16xi32>
      %max3A_269 = arith.maxsi %max3A_268, %add3A_258 : vector<16xi32>
      %min3A_270 = vector.broadcast %jit3A_267 : i32 to vector<16xi32>
      %min3A_271 = arith.minsi %min3A_270, %max3A_269 : vector<16xi32>
      %shift_right_arithmetic3A_272 = arith.constant 3 : i32
      %shift_right_arithmetic3A_273 = vector.broadcast %shift_right_arithmetic3A_272 : i32 to vector<16xi32>
      %shift_right_arithmetic3A_274 = arith.shrsi %min3A_271, %shift_right_arithmetic3A_273 : vector<16xi32>
      %and3A_275 = arith.constant 7 : i32
      %and3A_276 = vector.broadcast %and3A_275 : i32 to vector<16xi32>
      %and3A_277 = arith.andi %min3A_271, %and3A_276 : vector<16xi32>
      %add3A_278 = arith.constant 7 : i32
      %add3A_279 = vector.broadcast %add3A_278 : i32 to vector<16xi32>
      %add3A_280 = arith.addi %sub3A_125, %add3A_279 : vector<16xi32>
      %ge3A_281 = arith.constant 0 : i32
      %ge3A_282 = vector.broadcast %ge3A_281 : i32 to vector<16xi32>
      %ge3A_283 = arith.cmpi sge, %add3A_280, %ge3A_282 : vector<16xi32>
      %le3A_284 = arith.constant 63 : i32
      %le3A_285 = vector.broadcast %le3A_284 : i32 to vector<16xi32>
      %le3A_286 = arith.cmpi sle, %add3A_280, %le3A_285 : vector<16xi32>
      %and3A_287 = arith.andi %ge3A_283, %le3A_286 : vector<16xi1>
      %jit3A_288 = arith.constant 0 : i32
      %jit3A_289 = arith.constant 63 : i32
      %max3A_290 = vector.broadcast %jit3A_288 : i32 to vector<16xi32>
      %max3A_291 = arith.maxsi %max3A_290, %add3A_280 : vector<16xi32>
      %min3A_292 = vector.broadcast %jit3A_289 : i32 to vector<16xi32>
      %min3A_293 = arith.minsi %min3A_292, %max3A_291 : vector<16xi32>
      %shift_right_arithmetic3A_294 = arith.constant 3 : i32
      %shift_right_arithmetic3A_295 = vector.broadcast %shift_right_arithmetic3A_294 : i32 to vector<16xi32>
      %shift_right_arithmetic3A_296 = arith.shrsi %min3A_293, %shift_right_arithmetic3A_295 : vector<16xi32>
      %and3A_297 = arith.constant 7 : i32
      %and3A_298 = vector.broadcast %and3A_297 : i32 to vector<16xi32>
      %and3A_299 = arith.andi %min3A_293, %and3A_298 : vector<16xi32>
      %add3A_300 = arith.constant 8 : i32
      %add3A_301 = vector.broadcast %add3A_300 : i32 to vector<16xi32>
      %add3A_302 = arith.addi %sub3A_125, %add3A_301 : vector<16xi32>
      %ge3A_303 = arith.constant 0 : i32
      %ge3A_304 = vector.broadcast %ge3A_303 : i32 to vector<16xi32>
      %ge3A_305 = arith.cmpi sge, %add3A_302, %ge3A_304 : vector<16xi32>
      %le3A_306 = arith.constant 63 : i32
      %le3A_307 = vector.broadcast %le3A_306 : i32 to vector<16xi32>
      %le3A_308 = arith.cmpi sle, %add3A_302, %le3A_307 : vector<16xi32>
      %and3A_309 = arith.andi %ge3A_305, %le3A_308 : vector<16xi1>
      %jit3A_310 = arith.constant 0 : i32
      %jit3A_311 = arith.constant 63 : i32
      %max3A_312 = vector.broadcast %jit3A_310 : i32 to vector<16xi32>
      %max3A_313 = arith.maxsi %max3A_312, %add3A_302 : vector<16xi32>
      %min3A_314 = vector.broadcast %jit3A_311 : i32 to vector<16xi32>
      %min3A_315 = arith.minsi %min3A_314, %max3A_313 : vector<16xi32>
      %shift_right_arithmetic3A_316 = arith.constant 3 : i32
      %shift_right_arithmetic3A_317 = vector.broadcast %shift_right_arithmetic3A_316 : i32 to vector<16xi32>
      %shift_right_arithmetic3A_318 = arith.shrsi %min3A_315, %shift_right_arithmetic3A_317 : vector<16xi32>
      %and3A_319 = arith.constant 7 : i32
      %and3A_320 = vector.broadcast %and3A_319 : i32 to vector<16xi32>
      %and3A_321 = arith.andi %min3A_315, %and3A_320 : vector<16xi32>
      %add3A_322 = arith.constant 9 : i32
      %add3A_323 = vector.broadcast %add3A_322 : i32 to vector<16xi32>
      %add3A_324 = arith.addi %sub3A_125, %add3A_323 : vector<16xi32>
      %ge3A_325 = arith.constant 0 : i32
      %ge3A_326 = vector.broadcast %ge3A_325 : i32 to vector<16xi32>
      %ge3A_327 = arith.cmpi sge, %add3A_324, %ge3A_326 : vector<16xi32>
      %le3A_328 = arith.constant 63 : i32
      %le3A_329 = vector.broadcast %le3A_328 : i32 to vector<16xi32>
      %le3A_330 = arith.cmpi sle, %add3A_324, %le3A_329 : vector<16xi32>
      %and3A_331 = arith.andi %ge3A_327, %le3A_330 : vector<16xi1>
      %jit3A_332 = arith.constant 0 : i32
      %jit3A_333 = arith.constant 63 : i32
      %max3A_334 = vector.broadcast %jit3A_332 : i32 to vector<16xi32>
      %max3A_335 = arith.maxsi %max3A_334, %add3A_324 : vector<16xi32>
      %min3A_336 = vector.broadcast %jit3A_333 : i32 to vector<16xi32>
      %min3A_337 = arith.minsi %min3A_336, %max3A_335 : vector<16xi32>
      %shift_right_arithmetic3A_338 = arith.constant 3 : i32
      %shift_right_arithmetic3A_339 = vector.broadcast %shift_right_arithmetic3A_338 : i32 to vector<16xi32>
      %shift_right_arithmetic3A_340 = arith.shrsi %min3A_337, %shift_right_arithmetic3A_339 : vector<16xi32>
      %and3A_341 = arith.constant 7 : i32
      %and3A_342 = vector.broadcast %and3A_341 : i32 to vector<16xi32>
      %and3A_343 = arith.andi %min3A_337, %and3A_342 : vector<16xi32>
      %add3A_344 = arith.constant 10 : i32
      %add3A_345 = vector.broadcast %add3A_344 : i32 to vector<16xi32>
      %add3A_346 = arith.addi %sub3A_125, %add3A_345 : vector<16xi32>
      %ge3A_347 = arith.constant 0 : i32
      %ge3A_348 = vector.broadcast %ge3A_347 : i32 to vector<16xi32>
      %ge3A_349 = arith.cmpi sge, %add3A_346, %ge3A_348 : vector<16xi32>
      %le3A_350 = arith.constant 63 : i32
      %le3A_351 = vector.broadcast %le3A_350 : i32 to vector<16xi32>
      %le3A_352 = arith.cmpi sle, %add3A_346, %le3A_351 : vector<16xi32>
      %and3A_353 = arith.andi %ge3A_349, %le3A_352 : vector<16xi1>
      %jit3A_354 = arith.constant 0 : i32
      %jit3A_355 = arith.constant 63 : i32
      %max3A_356 = vector.broadcast %jit3A_354 : i32 to vector<16xi32>
      %max3A_357 = arith.maxsi %max3A_356, %add3A_346 : vector<16xi32>
      %min3A_358 = vector.broadcast %jit3A_355 : i32 to vector<16xi32>
      %min3A_359 = arith.minsi %min3A_358, %max3A_357 : vector<16xi32>
      %shift_right_arithmetic3A_360 = arith.constant 3 : i32
      %shift_right_arithmetic3A_361 = vector.broadcast %shift_right_arithmetic3A_360 : i32 to vector<16xi32>
      %shift_right_arithmetic3A_362 = arith.shrsi %min3A_359, %shift_right_arithmetic3A_361 : vector<16xi32>
      %and3A_363 = arith.constant 7 : i32
      %and3A_364 = vector.broadcast %and3A_363 : i32 to vector<16xi32>
      %and3A_365 = arith.andi %min3A_359, %and3A_364 : vector<16xi32>
      %scan3A_366 = arith.constant 0 : i32
      %scan3A_367 = arith.constant 11 : i32
      %scan3A_368 = arith.addi %scan3A_366, %scan3A_367 : i32
      %scan3A_369 = arith.constant 1 : i32
      scf.for %scan3A_418 = %scan3A_366 to %scan3A_368 step %scan3A_369  : i32 {
        %mul3A_419 = arith.constant 1 : i32
        %mul3A_420 = arith.muli %scan3A_418, %mul3A_419 : i32
        %add3A_421 = arith.constant 0 : i32
        %add3A_422 = arith.addi %add3A_421, %mul3A_420 : i32
        %sub3A_423 = arith.constant 5 : i32
        %sub3A_424 = arith.subi %add3A_422, %sub3A_423 : i32
        %add3A_425 = vector.broadcast %sub3A_424 : i32 to vector<16xi32>
        %add3A_426 = arith.addi %select_n3A_84, %add3A_425 : vector<16xi32>
        %ge3A_427 = arith.constant 0 : i32
        %ge3A_428 = vector.broadcast %ge3A_427 : i32 to vector<16xi32>
        %ge3A_429 = arith.cmpi sge, %add3A_426, %ge3A_428 : vector<16xi32>
        %le3A_430 = arith.constant 63 : i32
        %le3A_431 = vector.broadcast %le3A_430 : i32 to vector<16xi32>
        %le3A_432 = arith.cmpi sle, %add3A_426, %le3A_431 : vector<16xi32>
        %and3A_433 = arith.andi %ge3A_429, %le3A_432 : vector<16xi1>
        %jit3A_434 = arith.constant 0 : i32
        %jit3A_435 = arith.constant 63 : i32
        %max3A_436 = vector.broadcast %jit3A_434 : i32 to vector<16xi32>
        %max3A_437 = arith.maxsi %max3A_436, %add3A_426 : vector<16xi32>
        %min3A_438 = vector.broadcast %jit3A_435 : i32 to vector<16xi32>
        %min3A_439 = arith.minsi %min3A_438, %max3A_437 : vector<16xi32>
        %mul3A_440 = arith.constant 11 : i32
        %mul3A_441 = arith.muli %add3A_422, %mul3A_440 : i32
        %add3A_442 = arith.constant 0 : i32
        %add3A_443 = arith.addi %mul3A_441, %add3A_442 : i32
        %and3A_444 = arith.andi %and3A_433, %and3A_133 : vector<16xi1>
        %gather3A_445 = tpu.vector_load_idx %arg10[%min3A_439, %shift_right_arithmetic3A_142, %and3A_145, %iota3A] : memref<64x8x8x16xf32, #tpu.memory_space<vmem>>[vector<16xi32>, vector<16xi32>, vector<16xi32>, vector<16xi32>], vector<16xf32>,
        %jit3A_446 = arith.constant 3.000000e-01 : f32
        %broadcast_in_dim3A_447 = vector.broadcast %jit3A_446 : f32 to vector<16xf32>
        %select_n3A_448 = arith.select %and3A_444, %gather3A_445, %broadcast_in_dim3A_447 : vector<16xi1>, vector<16xf32>
        %mul3A_449 = arith.constant 4.000000e+00 : f32
        %mul3A_450 = vector.broadcast %mul3A_449 : f32 to vector<16xf32>
        %mul3A_451 = arith.mulf %select_n3A_448, %mul3A_450 : vector<16xf32>
        %convert_element_type3A_452 = arith.fptosi %mul3A_451 : vector<16xf32> to vector<16xi32>
        %swap3A_453 = arith.index_cast %add3A_443 : i32 to index
        %swap3A_454 = arith.constant 0 : index
        %swap3A_455 = tpu.vector_load %arg11[%swap3A_453, %swap3A_454] {strides = array<i32>} : memref<605x16xf32, #tpu.memory_space<vmem>>, vector<16xf32>,
        tpu.vector_store %arg11[%swap3A_453, %swap3A_454], %select_n3A_448 {strides = array<i32>} : memref<605x16xf32, #tpu.memory_space<vmem>>, vector<16xf32>,
        %eq3A_456 = arith.constant 1 : i32
        %eq3A_457 = vector.broadcast %eq3A_456 : i32 to vector<16xi32>
        %eq3A_458 = arith.cmpi eq, %convert_element_type3A_452, %eq3A_457 : vector<16xi32>
        %jit3A_459 = arith.constant 1.000000e+00 : f32
        %jit3A_460 = arith.constant 0.000000e+00 : f32
        %broadcast_in_dim3A_461 = vector.broadcast %jit3A_459 : f32 to vector<16xf32>
        %broadcast_in_dim3A_462 = vector.broadcast %jit3A_460 : f32 to vector<16xf32>
        %select_n3A_463 = arith.select %eq3A_458, %broadcast_in_dim3A_461, %broadcast_in_dim3A_462 : vector<16xi1>, vector<16xf32>
        %add3A_464 = arith.constant 121 : i32
        %add3A_465 = arith.addi %add3A_464, %add3A_443 : i32
        %swap3A_466 = arith.index_cast %add3A_465 : i32 to index
        %swap3A_467 = arith.constant 0 : index
        %swap3A_468 = tpu.vector_load %arg11[%swap3A_466, %swap3A_467] {strides = array<i32>} : memref<605x16xf32, #tpu.memory_space<vmem>>, vector<16xf32>,
        tpu.vector_store %arg11[%swap3A_466, %swap3A_467], %select_n3A_463 {strides = array<i32>} : memref<605x16xf32, #tpu.memory_space<vmem>>, vector<16xf32>,
        %eq3A_469 = arith.constant 2 : i32
        %eq3A_470 = vector.broadcast %eq3A_469 : i32 to vector<16xi32>
        %eq3A_471 = arith.cmpi eq, %convert_element_type3A_452, %eq3A_470 : vector<16xi32>
        %jit3A_472 = arith.constant 1.000000e+00 : f32
        %jit3A_473 = arith.constant 0.000000e+00 : f32
        %broadcast_in_dim3A_474 = vector.broadcast %jit3A_472 : f32 to vector<16xf32>
        %broadcast_in_dim3A_475 = vector.broadcast %jit3A_473 : f32 to vector<16xf32>
        %select_n3A_476 = arith.select %eq3A_471, %broadcast_in_dim3A_474, %broadcast_in_dim3A_475 : vector<16xi1>, vector<16xf32>
        %add3A_477 = arith.constant 242 : i32
        %add3A_478 = arith.addi %add3A_477, %add3A_443 : i32
        %swap3A_479 = arith.index_cast %add3A_478 : i32 to index
        %swap3A_480 = arith.constant 0 : index
        %swap3A_481 = tpu.vector_load %arg11[%swap3A_479, %swap3A_480] {strides = array<i32>} : memref<605x16xf32, #tpu.memory_space<vmem>>, vector<16xf32>,
        tpu.vector_store %arg11[%swap3A_479, %swap3A_480], %select_n3A_476 {strides = array<i32>} : memref<605x16xf32, #tpu.memory_space<vmem>>, vector<16xf32>,
        %eq3A_482 = arith.constant 3 : i32
        %eq3A_483 = vector.broadcast %eq3A_482 : i32 to vector<16xi32>
        %eq3A_484 = arith.cmpi eq, %convert_element_type3A_452, %eq3A_483 : vector<16xi32>
        %jit3A_485 = arith.constant 1.000000e+00 : f32
        %jit3A_486 = arith.constant 0.000000e+00 : f32
        %broadcast_in_dim3A_487 = vector.broadcast %jit3A_485 : f32 to vector<16xf32>
        %broadcast_in_dim3A_488 = vector.broadcast %jit3A_486 : f32 to vector<16xf32>
        %select_n3A_489 = arith.select %eq3A_484, %broadcast_in_dim3A_487, %broadcast_in_dim3A_488 : vector<16xi1>, vector<16xf32>
        %add3A_490 = arith.constant 363 : i32
        %add3A_491 = arith.addi %add3A_490, %add3A_443 : i32
        %swap3A_492 = arith.index_cast %add3A_491 : i32 to index
        %swap3A_493 = arith.constant 0 : index
        %swap3A_494 = tpu.vector_load %arg11[%swap3A_492, %swap3A_493] {strides = array<i32>} : memref<605x16xf32, #tpu.memory_space<vmem>>, vector<16xf32>,
        tpu.vector_store %arg11[%swap3A_492, %swap3A_493], %select_n3A_489 {strides = array<i32>} : memref<605x16xf32, #tpu.memory_space<vmem>>, vector<16xf32>,
        %add3A_495 = arith.constant 484 : i32
        %add3A_496 = arith.addi %add3A_495, %add3A_443 : i32
        %swap3A_497 = arith.index_cast %add3A_496 : i32 to index
        %swap3A_498 = arith.constant 0 : index
        %swap3A_499 = tpu.vector_load %arg11[%swap3A_497, %swap3A_498] {strides = array<i32>} : memref<605x16xf32, #tpu.memory_space<vmem>>, vector<16xf32>,
        tpu.vector_store %arg11[%swap3A_497, %swap3A_498], %div3A_119 {strides = array<i32>} : memref<605x16xf32, #tpu.memory_space<vmem>>, vector<16xf32>,
        %mul3A_500 = arith.constant 11 : i32
        %mul3A_501 = arith.muli %add3A_422, %mul3A_500 : i32
        %add3A_502 = arith.constant 1 : i32
        %add3A_503 = arith.addi %mul3A_501, %add3A_502 : i32
        %and3A_504 = arith.andi %and3A_433, %and3A_155 : vector<16xi1>
        %gather3A_505 = tpu.vector_load_idx %arg10[%min3A_439, %shift_right_arithmetic3A_164, %and3A_167, %iota3A] : memref<64x8x8x16xf32, #tpu.memory_space<vmem>>[vector<16xi32>, vector<16xi32>, vector<16xi32>, vector<16xi32>], vector<16xf32>,
        %jit3A_506 = arith.constant 3.000000e-01 : f32
        %broadcast_in_dim3A_507 = vector.broadcast %jit3A_506 : f32 to vector<16xf32>
        %select_n3A_508 = arith.select %and3A_504, %gather3A_505, %broadcast_in_dim3A_507 : vector<16xi1>, vector<16xf32>
        %mul3A_509 = arith.constant 4.000000e+00 : f32
        %mul3A_510 = vector.broadcast %mul3A_509 : f32 to vector<16xf32>
        %mul3A_511 = arith.mulf %select_n3A_508, %mul3A_510 : vector<16xf32>
        %convert_element_type3A_512 = arith.fptosi %mul3A_511 : vector<16xf32> to vector<16xi32>
        %swap3A_513 = arith.index_cast %add3A_503 : i32 to index
        %swap3A_514 = arith.constant 0 : index
        %swap3A_515 = tpu.vector_load %arg11[%swap3A_513, %swap3A_514] {strides = array<i32>} : memref<605x16xf32, #tpu.memory_space<vmem>>, vector<16xf32>,
        tpu.vector_store %arg11[%swap3A_513, %swap3A_514], %select_n3A_508 {strides = array<i32>} : memref<605x16xf32, #tpu.memory_space<vmem>>, vector<16xf32>,
        %eq3A_516 = arith.constant 1 : i32
        %eq3A_517 = vector.broadcast %eq3A_516 : i32 to vector<16xi32>
        %eq3A_518 = arith.cmpi eq, %convert_element_type3A_512, %eq3A_517 : vector<16xi32>
        %jit3A_519 = arith.constant 1.000000e+00 : f32
        %jit3A_520 = arith.constant 0.000000e+00 : f32
        %broadcast_in_dim3A_521 = vector.broadcast %jit3A_519 : f32 to vector<16xf32>
        %broadcast_in_dim3A_522 = vector.broadcast %jit3A_520 : f32 to vector<16xf32>
        %select_n3A_523 = arith.select %eq3A_518, %broadcast_in_dim3A_521, %broadcast_in_dim3A_522 : vector<16xi1>, vector<16xf32>
        %add3A_524 = arith.constant 121 : i32
        %add3A_525 = arith.addi %add3A_524, %add3A_503 : i32
        %swap3A_526 = arith.index_cast %add3A_525 : i32 to index
        %swap3A_527 = arith.constant 0 : index
        %swap3A_528 = tpu.vector_load %arg11[%swap3A_526, %swap3A_527] {strides = array<i32>} : memref<605x16xf32, #tpu.memory_space<vmem>>, vector<16xf32>,
        tpu.vector_store %arg11[%swap3A_526, %swap3A_527], %select_n3A_523 {strides = array<i32>} : memref<605x16xf32, #tpu.memory_space<vmem>>, vector<16xf32>,
        %eq3A_529 = arith.constant 2 : i32
        %eq3A_530 = vector.broadcast %eq3A_529 : i32 to vector<16xi32>
        %eq3A_531 = arith.cmpi eq, %convert_element_type3A_512, %eq3A_530 : vector<16xi32>
        %jit3A_532 = arith.constant 1.000000e+00 : f32
        %jit3A_533 = arith.constant 0.000000e+00 : f32
        %broadcast_in_dim3A_534 = vector.broadcast %jit3A_532 : f32 to vector<16xf32>
        %broadcast_in_dim3A_535 = vector.broadcast %jit3A_533 : f32 to vector<16xf32>
        %select_n3A_536 = arith.select %eq3A_531, %broadcast_in_dim3A_534, %broadcast_in_dim3A_535 : vector<16xi1>, vector<16xf32>
        %add3A_537 = arith.constant 242 : i32
        %add3A_538 = arith.addi %add3A_537, %add3A_503 : i32
        %swap3A_539 = arith.index_cast %add3A_538 : i32 to index
        %swap3A_540 = arith.constant 0 : index
        %swap3A_541 = tpu.vector_load %arg11[%swap3A_539, %swap3A_540] {strides = array<i32>} : memref<605x16xf32, #tpu.memory_space<vmem>>, vector<16xf32>,
        tpu.vector_store %arg11[%swap3A_539, %swap3A_540], %select_n3A_536 {strides = array<i32>} : memref<605x16xf32, #tpu.memory_space<vmem>>, vector<16xf32>,
        %eq3A_542 = arith.constant 3 : i32
        %eq3A_543 = vector.broadcast %eq3A_542 : i32 to vector<16xi32>
        %eq3A_544 = arith.cmpi eq, %convert_element_type3A_512, %eq3A_543 : vector<16xi32>
        %jit3A_545 = arith.constant 1.000000e+00 : f32
        %jit3A_546 = arith.constant 0.000000e+00 : f32
        %broadcast_in_dim3A_547 = vector.broadcast %jit3A_545 : f32 to vector<16xf32>
        %broadcast_in_dim3A_548 = vector.broadcast %jit3A_546 : f32 to vector<16xf32>
        %select_n3A_549 = arith.select %eq3A_544, %broadcast_in_dim3A_547, %broadcast_in_dim3A_548 : vector<16xi1>, vector<16xf32>
        %add3A_550 = arith.constant 363 : i32
        %add3A_551 = arith.addi %add3A_550, %add3A_503 : i32
        %swap3A_552 = arith.index_cast %add3A_551 : i32 to index
        %swap3A_553 = arith.constant 0 : index
        %swap3A_554 = tpu.vector_load %arg11[%swap3A_552, %swap3A_553] {strides = array<i32>} : memref<605x16xf32, #tpu.memory_space<vmem>>, vector<16xf32>,
        tpu.vector_store %arg11[%swap3A_552, %swap3A_553], %select_n3A_549 {strides = array<i32>} : memref<605x16xf32, #tpu.memory_space<vmem>>, vector<16xf32>,
        %add3A_555 = arith.constant 484 : i32
        %add3A_556 = arith.addi %add3A_555, %add3A_503 : i32
        %swap3A_557 = arith.index_cast %add3A_556 : i32 to index
        %swap3A_558 = arith.constant 0 : index
        %swap3A_559 = tpu.vector_load %arg11[%swap3A_557, %swap3A_558] {strides = array<i32>} : memref<605x16xf32, #tpu.memory_space<vmem>>, vector<16xf32>,
        tpu.vector_store %arg11[%swap3A_557, %swap3A_558], %div3A_119 {strides = array<i32>} : memref<605x16xf32, #tpu.memory_space<vmem>>, vector<16xf32>,
        %mul3A_560 = arith.constant 11 : i32
        %mul3A_561 = arith.muli %add3A_422, %mul3A_560 : i32
        %add3A_562 = arith.constant 2 : i32
        %add3A_563 = arith.addi %mul3A_561, %add3A_562 : i32
        %and3A_564 = arith.andi %and3A_433, %and3A_177 : vector<16xi1>
        %gather3A_565 = tpu.vector_load_idx %arg10[%min3A_439, %shift_right_arithmetic3A_186, %and3A_189, %iota3A] : memref<64x8x8x16xf32, #tpu.memory_space<vmem>>[vector<16xi32>, vector<16xi32>, vector<16xi32>, vector<16xi32>], vector<16xf32>,
        %jit3A_566 = arith.constant 3.000000e-01 : f32
        %broadcast_in_dim3A_567 = vector.broadcast %jit3A_566 : f32 to vector<16xf32>
        %select_n3A_568 = arith.select %and3A_564, %gather3A_565, %broadcast_in_dim3A_567 : vector<16xi1>, vector<16xf32>
        %mul3A_569 = arith.constant 4.000000e+00 : f32
        %mul3A_570 = vector.broadcast %mul3A_569 : f32 to vector<16xf32>
        %mul3A_571 = arith.mulf %select_n3A_568, %mul3A_570 : vector<16xf32>
        %convert_element_type3A_572 = arith.fptosi %mul3A_571 : vector<16xf32> to vector<16xi32>
        %swap3A_573 = arith.index_cast %add3A_563 : i32 to index
        %swap3A_574 = arith.constant 0 : index
        %swap3A_575 = tpu.vector_load %arg11[%swap3A_573, %swap3A_574] {strides = array<i32>} : memref<605x16xf32, #tpu.memory_space<vmem>>, vector<16xf32>,
        tpu.vector_store %arg11[%swap3A_573, %swap3A_574], %select_n3A_568 {strides = array<i32>} : memref<605x16xf32, #tpu.memory_space<vmem>>, vector<16xf32>,
        %eq3A_576 = arith.constant 1 : i32
        %eq3A_577 = vector.broadcast %eq3A_576 : i32 to vector<16xi32>
        %eq3A_578 = arith.cmpi eq, %convert_element_type3A_572, %eq3A_577 : vector<16xi32>
        %jit3A_579 = arith.constant 1.000000e+00 : f32
        %jit3A_580 = arith.constant 0.000000e+00 : f32
        %broadcast_in_dim3A_581 = vector.broadcast %jit3A_579 : f32 to vector<16xf32>
        %broadcast_in_dim3A_582 = vector.broadcast %jit3A_580 : f32 to vector<16xf32>
        %select_n3A_583 = arith.select %eq3A_578, %broadcast_in_dim3A_581, %broadcast_in_dim3A_582 : vector<16xi1>, vector<16xf32>
        %add3A_584 = arith.constant 121 : i32
        %add3A_585 = arith.addi %add3A_584, %add3A_563 : i32
        %swap3A_586 = arith.index_cast %add3A_585 : i32 to index
        %swap3A_587 = arith.constant 0 : index
        %swap3A_588 = tpu.vector_load %arg11[%swap3A_586, %swap3A_587] {strides = array<i32>} : memref<605x16xf32, #tpu.memory_space<vmem>>, vector<16xf32>,
        tpu.vector_store %arg11[%swap3A_586, %swap3A_587], %select_n3A_583 {strides = array<i32>} : memref<605x16xf32, #tpu.memory_space<vmem>>, vector<16xf32>,
        %eq3A_589 = arith.constant 2 : i32
        %eq3A_590 = vector.broadcast %eq3A_589 : i32 to vector<16xi32>
        %eq3A_591 = arith.cmpi eq, %convert_element_type3A_572, %eq3A_590 : vector<16xi32>
        %jit3A_592 = arith.constant 1.000000e+00 : f32
        %jit3A_593 = arith.constant 0.000000e+00 : f32
        %broadcast_in_dim3A_594 = vector.broadcast %jit3A_592 : f32 to vector<16xf32>
        %broadcast_in_dim3A_595 = vector.broadcast %jit3A_593 : f32 to vector<16xf32>
        %select_n3A_596 = arith.select %eq3A_591, %broadcast_in_dim3A_594, %broadcast_in_dim3A_595 : vector<16xi1>, vector<16xf32>
        %add3A_597 = arith.constant 242 : i32
        %add3A_598 = arith.addi %add3A_597, %add3A_563 : i32
        %swap3A_599 = arith.index_cast %add3A_598 : i32 to index
        %swap3A_600 = arith.constant 0 : index
        %swap3A_601 = tpu.vector_load %arg11[%swap3A_599, %swap3A_600] {strides = array<i32>} : memref<605x16xf32, #tpu.memory_space<vmem>>, vector<16xf32>,
        tpu.vector_store %arg11[%swap3A_599, %swap3A_600], %select_n3A_596 {strides = array<i32>} : memref<605x16xf32, #tpu.memory_space<vmem>>, vector<16xf32>,
        %eq3A_602 = arith.constant 3 : i32
        %eq3A_603 = vector.broadcast %eq3A_602 : i32 to vector<16xi32>
        %eq3A_604 = arith.cmpi eq, %convert_element_type3A_572, %eq3A_603 : vector<16xi32>
        %jit3A_605 = arith.constant 1.000000e+00 : f32
        %jit3A_606 = arith.constant 0.000000e+00 : f32
        %broadcast_in_dim3A_607 = vector.broadcast %jit3A_605 : f32 to vector<16xf32>
        %broadcast_in_dim3A_608 = vector.broadcast %jit3A_606 : f32 to vector<16xf32>
        %select_n3A_609 = arith.select %eq3A_604, %broadcast_in_dim3A_607, %broadcast_in_dim3A_608 : vector<16xi1>, vector<16xf32>
        %add3A_610 = arith.constant 363 : i32
        %add3A_611 = arith.addi %add3A_610, %add3A_563 : i32
        %swap3A_612 = arith.index_cast %add3A_611 : i32 to index
        %swap3A_613 = arith.constant 0 : index
        %swap3A_614 = tpu.vector_load %arg11[%swap3A_612, %swap3A_613] {strides = array<i32>} : memref<605x16xf32, #tpu.memory_space<vmem>>, vector<16xf32>,
        tpu.vector_store %arg11[%swap3A_612, %swap3A_613], %select_n3A_609 {strides = array<i32>} : memref<605x16xf32, #tpu.memory_space<vmem>>, vector<16xf32>,
        %add3A_615 = arith.constant 484 : i32
        %add3A_616 = arith.addi %add3A_615, %add3A_563 : i32
        %swap3A_617 = arith.index_cast %add3A_616 : i32 to index
        %swap3A_618 = arith.constant 0 : index
        %swap3A_619 = tpu.vector_load %arg11[%swap3A_617, %swap3A_618] {strides = array<i32>} : memref<605x16xf32, #tpu.memory_space<vmem>>, vector<16xf32>,
        tpu.vector_store %arg11[%swap3A_617, %swap3A_618], %div3A_119 {strides = array<i32>} : memref<605x16xf32, #tpu.memory_space<vmem>>, vector<16xf32>,
        %mul3A_620 = arith.constant 11 : i32
        %mul3A_621 = arith.muli %add3A_422, %mul3A_620 : i32
        %add3A_622 = arith.constant 3 : i32
        %add3A_623 = arith.addi %mul3A_621, %add3A_622 : i32
        %and3A_624 = arith.andi %and3A_433, %and3A_199 : vector<16xi1>
        %gather3A_625 = tpu.vector_load_idx %arg10[%min3A_439, %shift_right_arithmetic3A_208, %and3A_211, %iota3A] : memref<64x8x8x16xf32, #tpu.memory_space<vmem>>[vector<16xi32>, vector<16xi32>, vector<16xi32>, vector<16xi32>], vector<16xf32>,
        %jit3A_626 = arith.constant 3.000000e-01 : f32
        %broadcast_in_dim3A_627 = vector.broadcast %jit3A_626 : f32 to vector<16xf32>
        %select_n3A_628 = arith.select %and3A_624, %gather3A_625, %broadcast_in_dim3A_627 : vector<16xi1>, vector<16xf32>
        %mul3A_629 = arith.constant 4.000000e+00 : f32
        %mul3A_630 = vector.broadcast %mul3A_629 : f32 to vector<16xf32>
        %mul3A_631 = arith.mulf %select_n3A_628, %mul3A_630 : vector<16xf32>
        %convert_element_type3A_632 = arith.fptosi %mul3A_631 : vector<16xf32> to vector<16xi32>
        %swap3A_633 = arith.index_cast %add3A_623 : i32 to index
        %swap3A_634 = arith.constant 0 : index
        %swap3A_635 = tpu.vector_load %arg11[%swap3A_633, %swap3A_634] {strides = array<i32>} : memref<605x16xf32, #tpu.memory_space<vmem>>, vector<16xf32>,
        tpu.vector_store %arg11[%swap3A_633, %swap3A_634], %select_n3A_628 {strides = array<i32>} : memref<605x16xf32, #tpu.memory_space<vmem>>, vector<16xf32>,
        %eq3A_636 = arith.constant 1 : i32
        %eq3A_637 = vector.broadcast %eq3A_636 : i32 to vector<16xi32>
        %eq3A_638 = arith.cmpi eq, %convert_element_type3A_632, %eq3A_637 : vector<16xi32>
        %jit3A_639 = arith.constant 1.000000e+00 : f32
        %jit3A_640 = arith.constant 0.000000e+00 : f32
        %broadcast_in_dim3A_641 = vector.broadcast %jit3A_639 : f32 to vector<16xf32>
        %broadcast_in_dim3A_642 = vector.broadcast %jit3A_640 : f32 to vector<16xf32>
        %select_n3A_643 = arith.select %eq3A_638, %broadcast_in_dim3A_641, %broadcast_in_dim3A_642 : vector<16xi1>, vector<16xf32>
        %add3A_644 = arith.constant 121 : i32
        %add3A_645 = arith.addi %add3A_644, %add3A_623 : i32
        %swap3A_646 = arith.index_cast %add3A_645 : i32 to index
        %swap3A_647 = arith.constant 0 : index
        %swap3A_648 = tpu.vector_load %arg11[%swap3A_646, %swap3A_647] {strides = array<i32>} : memref<605x16xf32, #tpu.memory_space<vmem>>, vector<16xf32>,
        tpu.vector_store %arg11[%swap3A_646, %swap3A_647], %select_n3A_643 {strides = array<i32>} : memref<605x16xf32, #tpu.memory_space<vmem>>, vector<16xf32>,
        %eq3A_649 = arith.constant 2 : i32
        %eq3A_650 = vector.broadcast %eq3A_649 : i32 to vector<16xi32>
        %eq3A_651 = arith.cmpi eq, %convert_element_type3A_632, %eq3A_650 : vector<16xi32>
        %jit3A_652 = arith.constant 1.000000e+00 : f32
        %jit3A_653 = arith.constant 0.000000e+00 : f32
        %broadcast_in_dim3A_654 = vector.broadcast %jit3A_652 : f32 to vector<16xf32>
        %broadcast_in_dim3A_655 = vector.broadcast %jit3A_653 : f32 to vector<16xf32>
        %select_n3A_656 = arith.select %eq3A_651, %broadcast_in_dim3A_654, %broadcast_in_dim3A_655 : vector<16xi1>, vector<16xf32>
        %add3A_657 = arith.constant 242 : i32
        %add3A_658 = arith.addi %add3A_657, %add3A_623 : i32
        %swap3A_659 = arith.index_cast %add3A_658 : i32 to index
        %swap3A_660 = arith.constant 0 : index
        %swap3A_661 = tpu.vector_load %arg11[%swap3A_659, %swap3A_660] {strides = array<i32>} : memref<605x16xf32, #tpu.memory_space<vmem>>, vector<16xf32>,
        tpu.vector_store %arg11[%swap3A_659, %swap3A_660], %select_n3A_656 {strides = array<i32>} : memref<605x16xf32, #tpu.memory_space<vmem>>, vector<16xf32>,
        %eq3A_662 = arith.constant 3 : i32
        %eq3A_663 = vector.broadcast %eq3A_662 : i32 to vector<16xi32>
        %eq3A_664 = arith.cmpi eq, %convert_element_type3A_632, %eq3A_663 : vector<16xi32>
        %jit3A_665 = arith.constant 1.000000e+00 : f32
        %jit3A_666 = arith.constant 0.000000e+00 : f32
        %broadcast_in_dim3A_667 = vector.broadcast %jit3A_665 : f32 to vector<16xf32>
        %broadcast_in_dim3A_668 = vector.broadcast %jit3A_666 : f32 to vector<16xf32>
        %select_n3A_669 = arith.select %eq3A_664, %broadcast_in_dim3A_667, %broadcast_in_dim3A_668 : vector<16xi1>, vector<16xf32>
        %add3A_670 = arith.constant 363 : i32
        %add3A_671 = arith.addi %add3A_670, %add3A_623 : i32
        %swap3A_672 = arith.index_cast %add3A_671 : i32 to index
        %swap3A_673 = arith.constant 0 : index
        %swap3A_674 = tpu.vector_load %arg11[%swap3A_672, %swap3A_673] {strides = array<i32>} : memref<605x16xf32, #tpu.memory_space<vmem>>, vector<16xf32>,
        tpu.vector_store %arg11[%swap3A_672, %swap3A_673], %select_n3A_669 {strides = array<i32>} : memref<605x16xf32, #tpu.memory_space<vmem>>, vector<16xf32>,
        %add3A_675 = arith.constant 484 : i32
        %add3A_676 = arith.addi %add3A_675, %add3A_623 : i32
        %swap3A_677 = arith.index_cast %add3A_676 : i32 to index
        %swap3A_678 = arith.constant 0 : index
        %swap3A_679 = tpu.vector_load %arg11[%swap3A_677, %swap3A_678] {strides = array<i32>} : memref<605x16xf32, #tpu.memory_space<vmem>>, vector<16xf32>,
        tpu.vector_store %arg11[%swap3A_677, %swap3A_678], %div3A_119 {strides = array<i32>} : memref<605x16xf32, #tpu.memory_space<vmem>>, vector<16xf32>,
        %mul3A_680 = arith.constant 11 : i32
        %mul3A_681 = arith.muli %add3A_422, %mul3A_680 : i32
        %add3A_682 = arith.constant 4 : i32
        %add3A_683 = arith.addi %mul3A_681, %add3A_682 : i32
        %and3A_684 = arith.andi %and3A_433, %and3A_221 : vector<16xi1>
        %gather3A_685 = tpu.vector_load_idx %arg10[%min3A_439, %shift_right_arithmetic3A_230, %and3A_233, %iota3A] : memref<64x8x8x16xf32, #tpu.memory_space<vmem>>[vector<16xi32>, vector<16xi32>, vector<16xi32>, vector<16xi32>], vector<16xf32>,
        %jit3A_686 = arith.constant 3.000000e-01 : f32
        %broadcast_in_dim3A_687 = vector.broadcast %jit3A_686 : f32 to vector<16xf32>
        %select_n3A_688 = arith.select %and3A_684, %gather3A_685, %broadcast_in_dim3A_687 : vector<16xi1>, vector<16xf32>
        %mul3A_689 = arith.constant 4.000000e+00 : f32
        %mul3A_690 = vector.broadcast %mul3A_689 : f32 to vector<16xf32>
        %mul3A_691 = arith.mulf %select_n3A_688, %mul3A_690 : vector<16xf32>
        %convert_element_type3A_692 = arith.fptosi %mul3A_691 : vector<16xf32> to vector<16xi32>
        %swap3A_693 = arith.index_cast %add3A_683 : i32 to index
        %swap3A_694 = arith.constant 0 : index
        %swap3A_695 = tpu.vector_load %arg11[%swap3A_693, %swap3A_694] {strides = array<i32>} : memref<605x16xf32, #tpu.memory_space<vmem>>, vector<16xf32>,
        tpu.vector_store %arg11[%swap3A_693, %swap3A_694], %select_n3A_688 {strides = array<i32>} : memref<605x16xf32, #tpu.memory_space<vmem>>, vector<16xf32>,
        %eq3A_696 = arith.constant 1 : i32
        %eq3A_697 = vector.broadcast %eq3A_696 : i32 to vector<16xi32>
        %eq3A_698 = arith.cmpi eq, %convert_element_type3A_692, %eq3A_697 : vector<16xi32>
        %jit3A_699 = arith.constant 1.000000e+00 : f32
        %jit3A_700 = arith.constant 0.000000e+00 : f32
        %broadcast_in_dim3A_701 = vector.broadcast %jit3A_699 : f32 to vector<16xf32>
        %broadcast_in_dim3A_702 = vector.broadcast %jit3A_700 : f32 to vector<16xf32>
        %select_n3A_703 = arith.select %eq3A_698, %broadcast_in_dim3A_701, %broadcast_in_dim3A_702 : vector<16xi1>, vector<16xf32>
        %add3A_704 = arith.constant 121 : i32
        %add3A_705 = arith.addi %add3A_704, %add3A_683 : i32
        %swap3A_706 = arith.index_cast %add3A_705 : i32 to index
        %swap3A_707 = arith.constant 0 : index
        %swap3A_708 = tpu.vector_load %arg11[%swap3A_706, %swap3A_707] {strides = array<i32>} : memref<605x16xf32, #tpu.memory_space<vmem>>, vector<16xf32>,
        tpu.vector_store %arg11[%swap3A_706, %swap3A_707], %select_n3A_703 {strides = array<i32>} : memref<605x16xf32, #tpu.memory_space<vmem>>, vector<16xf32>,
        %eq3A_709 = arith.constant 2 : i32
        %eq3A_710 = vector.broadcast %eq3A_709 : i32 to vector<16xi32>
        %eq3A_711 = arith.cmpi eq, %convert_element_type3A_692, %eq3A_710 : vector<16xi32>
        %jit3A_712 = arith.constant 1.000000e+00 : f32
        %jit3A_713 = arith.constant 0.000000e+00 : f32
        %broadcast_in_dim3A_714 = vector.broadcast %jit3A_712 : f32 to vector<16xf32>
        %broadcast_in_dim3A_715 = vector.broadcast %jit3A_713 : f32 to vector<16xf32>
        %select_n3A_716 = arith.select %eq3A_711, %broadcast_in_dim3A_714, %broadcast_in_dim3A_715 : vector<16xi1>, vector<16xf32>
        %add3A_717 = arith.constant 242 : i32
        %add3A_718 = arith.addi %add3A_717, %add3A_683 : i32
        %swap3A_719 = arith.index_cast %add3A_718 : i32 to index
        %swap3A_720 = arith.constant 0 : index
        %swap3A_721 = tpu.vector_load %arg11[%swap3A_719, %swap3A_720] {strides = array<i32>} : memref<605x16xf32, #tpu.memory_space<vmem>>, vector<16xf32>,
        tpu.vector_store %arg11[%swap3A_719, %swap3A_720], %select_n3A_716 {strides = array<i32>} : memref<605x16xf32, #tpu.memory_space<vmem>>, vector<16xf32>,
        %eq3A_722 = arith.constant 3 : i32
        %eq3A_723 = vector.broadcast %eq3A_722 : i32 to vector<16xi32>
        %eq3A_724 = arith.cmpi eq, %convert_element_type3A_692, %eq3A_723 : vector<16xi32>
        %jit3A_725 = arith.constant 1.000000e+00 : f32
        %jit3A_726 = arith.constant 0.000000e+00 : f32
        %broadcast_in_dim3A_727 = vector.broadcast %jit3A_725 : f32 to vector<16xf32>
        %broadcast_in_dim3A_728 = vector.broadcast %jit3A_726 : f32 to vector<16xf32>
        %select_n3A_729 = arith.select %eq3A_724, %broadcast_in_dim3A_727, %broadcast_in_dim3A_728 : vector<16xi1>, vector<16xf32>
        %add3A_730 = arith.constant 363 : i32
        %add3A_731 = arith.addi %add3A_730, %add3A_683 : i32
        %swap3A_732 = arith.index_cast %add3A_731 : i32 to index
        %swap3A_733 = arith.constant 0 : index
        %swap3A_734 = tpu.vector_load %arg11[%swap3A_732, %swap3A_733] {strides = array<i32>} : memref<605x16xf32, #tpu.memory_space<vmem>>, vector<16xf32>,
        tpu.vector_store %arg11[%swap3A_732, %swap3A_733], %select_n3A_729 {strides = array<i32>} : memref<605x16xf32, #tpu.memory_space<vmem>>, vector<16xf32>,
        %add3A_735 = arith.constant 484 : i32
        %add3A_736 = arith.addi %add3A_735, %add3A_683 : i32
        %swap3A_737 = arith.index_cast %add3A_736 : i32 to index
        %swap3A_738 = arith.constant 0 : index
        %swap3A_739 = tpu.vector_load %arg11[%swap3A_737, %swap3A_738] {strides = array<i32>} : memref<605x16xf32, #tpu.memory_space<vmem>>, vector<16xf32>,
        tpu.vector_store %arg11[%swap3A_737, %swap3A_738], %div3A_119 {strides = array<i32>} : memref<605x16xf32, #tpu.memory_space<vmem>>, vector<16xf32>,
        %mul3A_740 = arith.constant 11 : i32
        %mul3A_741 = arith.muli %add3A_422, %mul3A_740 : i32
        %add3A_742 = arith.constant 5 : i32
        %add3A_743 = arith.addi %mul3A_741, %add3A_742 : i32
        %and3A_744 = arith.andi %and3A_433, %and3A_243 : vector<16xi1>
        %gather3A_745 = tpu.vector_load_idx %arg10[%min3A_439, %shift_right_arithmetic3A_252, %and3A_255, %iota3A] : memref<64x8x8x16xf32, #tpu.memory_space<vmem>>[vector<16xi32>, vector<16xi32>, vector<16xi32>, vector<16xi32>], vector<16xf32>,
        %jit3A_746 = arith.constant 3.000000e-01 : f32
        %broadcast_in_dim3A_747 = vector.broadcast %jit3A_746 : f32 to vector<16xf32>
        %select_n3A_748 = arith.select %and3A_744, %gather3A_745, %broadcast_in_dim3A_747 : vector<16xi1>, vector<16xf32>
        %mul3A_749 = arith.constant 4.000000e+00 : f32
        %mul3A_750 = vector.broadcast %mul3A_749 : f32 to vector<16xf32>
        %mul3A_751 = arith.mulf %select_n3A_748, %mul3A_750 : vector<16xf32>
        %convert_element_type3A_752 = arith.fptosi %mul3A_751 : vector<16xf32> to vector<16xi32>
        %swap3A_753 = arith.index_cast %add3A_743 : i32 to index
        %swap3A_754 = arith.constant 0 : index
        %swap3A_755 = tpu.vector_load %arg11[%swap3A_753, %swap3A_754] {strides = array<i32>} : memref<605x16xf32, #tpu.memory_space<vmem>>, vector<16xf32>,
        tpu.vector_store %arg11[%swap3A_753, %swap3A_754], %select_n3A_748 {strides = array<i32>} : memref<605x16xf32, #tpu.memory_space<vmem>>, vector<16xf32>,
        %eq3A_756 = arith.constant 1 : i32
        %eq3A_757 = vector.broadcast %eq3A_756 : i32 to vector<16xi32>
        %eq3A_758 = arith.cmpi eq, %convert_element_type3A_752, %eq3A_757 : vector<16xi32>
        %jit3A_759 = arith.constant 1.000000e+00 : f32
        %jit3A_760 = arith.constant 0.000000e+00 : f32
        %broadcast_in_dim3A_761 = vector.broadcast %jit3A_759 : f32 to vector<16xf32>
        %broadcast_in_dim3A_762 = vector.broadcast %jit3A_760 : f32 to vector<16xf32>
        %select_n3A_763 = arith.select %eq3A_758, %broadcast_in_dim3A_761, %broadcast_in_dim3A_762 : vector<16xi1>, vector<16xf32>
        %add3A_764 = arith.constant 121 : i32
        %add3A_765 = arith.addi %add3A_764, %add3A_743 : i32
        %swap3A_766 = arith.index_cast %add3A_765 : i32 to index
        %swap3A_767 = arith.constant 0 : index
        %swap3A_768 = tpu.vector_load %arg11[%swap3A_766, %swap3A_767] {strides = array<i32>} : memref<605x16xf32, #tpu.memory_space<vmem>>, vector<16xf32>,
        tpu.vector_store %arg11[%swap3A_766, %swap3A_767], %select_n3A_763 {strides = array<i32>} : memref<605x16xf32, #tpu.memory_space<vmem>>, vector<16xf32>,
        %eq3A_769 = arith.constant 2 : i32
        %eq3A_770 = vector.broadcast %eq3A_769 : i32 to vector<16xi32>
        %eq3A_771 = arith.cmpi eq, %convert_element_type3A_752, %eq3A_770 : vector<16xi32>
        %jit3A_772 = arith.constant 1.000000e+00 : f32
        %jit3A_773 = arith.constant 0.000000e+00 : f32
        %broadcast_in_dim3A_774 = vector.broadcast %jit3A_772 : f32 to vector<16xf32>
        %broadcast_in_dim3A_775 = vector.broadcast %jit3A_773 : f32 to vector<16xf32>
        %select_n3A_776 = arith.select %eq3A_771, %broadcast_in_dim3A_774, %broadcast_in_dim3A_775 : vector<16xi1>, vector<16xf32>
        %add3A_777 = arith.constant 242 : i32
        %add3A_778 = arith.addi %add3A_777, %add3A_743 : i32
        %swap3A_779 = arith.index_cast %add3A_778 : i32 to index
        %swap3A_780 = arith.constant 0 : index
        %swap3A_781 = tpu.vector_load %arg11[%swap3A_779, %swap3A_780] {strides = array<i32>} : memref<605x16xf32, #tpu.memory_space<vmem>>, vector<16xf32>,
        tpu.vector_store %arg11[%swap3A_779, %swap3A_780], %select_n3A_776 {strides = array<i32>} : memref<605x16xf32, #tpu.memory_space<vmem>>, vector<16xf32>,
        %eq3A_782 = arith.constant 3 : i32
        %eq3A_783 = vector.broadcast %eq3A_782 : i32 to vector<16xi32>
        %eq3A_784 = arith.cmpi eq, %convert_element_type3A_752, %eq3A_783 : vector<16xi32>
        %jit3A_785 = arith.constant 1.000000e+00 : f32
        %jit3A_786 = arith.constant 0.000000e+00 : f32
        %broadcast_in_dim3A_787 = vector.broadcast %jit3A_785 : f32 to vector<16xf32>
        %broadcast_in_dim3A_788 = vector.broadcast %jit3A_786 : f32 to vector<16xf32>
        %select_n3A_789 = arith.select %eq3A_784, %broadcast_in_dim3A_787, %broadcast_in_dim3A_788 : vector<16xi1>, vector<16xf32>
        %add3A_790 = arith.constant 363 : i32
        %add3A_791 = arith.addi %add3A_790, %add3A_743 : i32
        %swap3A_792 = arith.index_cast %add3A_791 : i32 to index
        %swap3A_793 = arith.constant 0 : index
        %swap3A_794 = tpu.vector_load %arg11[%swap3A_792, %swap3A_793] {strides = array<i32>} : memref<605x16xf32, #tpu.memory_space<vmem>>, vector<16xf32>,
        tpu.vector_store %arg11[%swap3A_792, %swap3A_793], %select_n3A_789 {strides = array<i32>} : memref<605x16xf32, #tpu.memory_space<vmem>>, vector<16xf32>,
        %add3A_795 = arith.constant 484 : i32
        %add3A_796 = arith.addi %add3A_795, %add3A_743 : i32
        %swap3A_797 = arith.index_cast %add3A_796 : i32 to index
        %swap3A_798 = arith.constant 0 : index
        %swap3A_799 = tpu.vector_load %arg11[%swap3A_797, %swap3A_798] {strides = array<i32>} : memref<605x16xf32, #tpu.memory_space<vmem>>, vector<16xf32>,
        tpu.vector_store %arg11[%swap3A_797, %swap3A_798], %div3A_119 {strides = array<i32>} : memref<605x16xf32, #tpu.memory_space<vmem>>, vector<16xf32>,
        %mul3A_800 = arith.constant 11 : i32
        %mul3A_801 = arith.muli %add3A_422, %mul3A_800 : i32
        %add3A_802 = arith.constant 6 : i32
        %add3A_803 = arith.addi %mul3A_801, %add3A_802 : i32
        %and3A_804 = arith.andi %and3A_433, %and3A_265 : vector<16xi1>
        %gather3A_805 = tpu.vector_load_idx %arg10[%min3A_439, %shift_right_arithmetic3A_274, %and3A_277, %iota3A] : memref<64x8x8x16xf32, #tpu.memory_space<vmem>>[vector<16xi32>, vector<16xi32>, vector<16xi32>, vector<16xi32>], vector<16xf32>,
        %jit3A_806 = arith.constant 3.000000e-01 : f32
        %broadcast_in_dim3A_807 = vector.broadcast %jit3A_806 : f32 to vector<16xf32>
        %select_n3A_808 = arith.select %and3A_804, %gather3A_805, %broadcast_in_dim3A_807 : vector<16xi1>, vector<16xf32>
        %mul3A_809 = arith.constant 4.000000e+00 : f32
        %mul3A_810 = vector.broadcast %mul3A_809 : f32 to vector<16xf32>
        %mul3A_811 = arith.mulf %select_n3A_808, %mul3A_810 : vector<16xf32>
        %convert_element_type3A_812 = arith.fptosi %mul3A_811 : vector<16xf32> to vector<16xi32>
        %swap3A_813 = arith.index_cast %add3A_803 : i32 to index
        %swap3A_814 = arith.constant 0 : index
        %swap3A_815 = tpu.vector_load %arg11[%swap3A_813, %swap3A_814] {strides = array<i32>} : memref<605x16xf32, #tpu.memory_space<vmem>>, vector<16xf32>,
        tpu.vector_store %arg11[%swap3A_813, %swap3A_814], %select_n3A_808 {strides = array<i32>} : memref<605x16xf32, #tpu.memory_space<vmem>>, vector<16xf32>,
        %eq3A_816 = arith.constant 1 : i32
        %eq3A_817 = vector.broadcast %eq3A_816 : i32 to vector<16xi32>
        %eq3A_818 = arith.cmpi eq, %convert_element_type3A_812, %eq3A_817 : vector<16xi32>
        %jit3A_819 = arith.constant 1.000000e+00 : f32
        %jit3A_820 = arith.constant 0.000000e+00 : f32
        %broadcast_in_dim3A_821 = vector.broadcast %jit3A_819 : f32 to vector<16xf32>
        %broadcast_in_dim3A_822 = vector.broadcast %jit3A_820 : f32 to vector<16xf32>
        %select_n3A_823 = arith.select %eq3A_818, %broadcast_in_dim3A_821, %broadcast_in_dim3A_822 : vector<16xi1>, vector<16xf32>
        %add3A_824 = arith.constant 121 : i32
        %add3A_825 = arith.addi %add3A_824, %add3A_803 : i32
        %swap3A_826 = arith.index_cast %add3A_825 : i32 to index
        %swap3A_827 = arith.constant 0 : index
        %swap3A_828 = tpu.vector_load %arg11[%swap3A_826, %swap3A_827] {strides = array<i32>} : memref<605x16xf32, #tpu.memory_space<vmem>>, vector<16xf32>,
        tpu.vector_store %arg11[%swap3A_826, %swap3A_827], %select_n3A_823 {strides = array<i32>} : memref<605x16xf32, #tpu.memory_space<vmem>>, vector<16xf32>,
        %eq3A_829 = arith.constant 2 : i32
        %eq3A_830 = vector.broadcast %eq3A_829 : i32 to vector<16xi32>
        %eq3A_831 = arith.cmpi eq, %convert_element_type3A_812, %eq3A_830 : vector<16xi32>
        %jit3A_832 = arith.constant 1.000000e+00 : f32
        %jit3A_833 = arith.constant 0.000000e+00 : f32
        %broadcast_in_dim3A_834 = vector.broadcast %jit3A_832 : f32 to vector<16xf32>
        %broadcast_in_dim3A_835 = vector.broadcast %jit3A_833 : f32 to vector<16xf32>
        %select_n3A_836 = arith.select %eq3A_831, %broadcast_in_dim3A_834, %broadcast_in_dim3A_835 : vector<16xi1>, vector<16xf32>
        %add3A_837 = arith.constant 242 : i32
        %add3A_838 = arith.addi %add3A_837, %add3A_803 : i32
        %swap3A_839 = arith.index_cast %add3A_838 : i32 to index
        %swap3A_840 = arith.constant 0 : index
        %swap3A_841 = tpu.vector_load %arg11[%swap3A_839, %swap3A_840] {strides = array<i32>} : memref<605x16xf32, #tpu.memory_space<vmem>>, vector<16xf32>,
        tpu.vector_store %arg11[%swap3A_839, %swap3A_840], %select_n3A_836 {strides = array<i32>} : memref<605x16xf32, #tpu.memory_space<vmem>>, vector<16xf32>,
        %eq3A_842 = arith.constant 3 : i32
        %eq3A_843 = vector.broadcast %eq3A_842 : i32 to vector<16xi32>
        %eq3A_844 = arith.cmpi eq, %convert_element_type3A_812, %eq3A_843 : vector<16xi32>
        %jit3A_845 = arith.constant 1.000000e+00 : f32
        %jit3A_846 = arith.constant 0.000000e+00 : f32
        %broadcast_in_dim3A_847 = vector.broadcast %jit3A_845 : f32 to vector<16xf32>
        %broadcast_in_dim3A_848 = vector.broadcast %jit3A_846 : f32 to vector<16xf32>
        %select_n3A_849 = arith.select %eq3A_844, %broadcast_in_dim3A_847, %broadcast_in_dim3A_848 : vector<16xi1>, vector<16xf32>
        %add3A_850 = arith.constant 363 : i32
        %add3A_851 = arith.addi %add3A_850, %add3A_803 : i32
        %swap3A_852 = arith.index_cast %add3A_851 : i32 to index
        %swap3A_853 = arith.constant 0 : index
        %swap3A_854 = tpu.vector_load %arg11[%swap3A_852, %swap3A_853] {strides = array<i32>} : memref<605x16xf32, #tpu.memory_space<vmem>>, vector<16xf32>,
        tpu.vector_store %arg11[%swap3A_852, %swap3A_853], %select_n3A_849 {strides = array<i32>} : memref<605x16xf32, #tpu.memory_space<vmem>>, vector<16xf32>,
        %add3A_855 = arith.constant 484 : i32
        %add3A_856 = arith.addi %add3A_855, %add3A_803 : i32
        %swap3A_857 = arith.index_cast %add3A_856 : i32 to index
        %swap3A_858 = arith.constant 0 : index
        %swap3A_859 = tpu.vector_load %arg11[%swap3A_857, %swap3A_858] {strides = array<i32>} : memref<605x16xf32, #tpu.memory_space<vmem>>, vector<16xf32>,
        tpu.vector_store %arg11[%swap3A_857, %swap3A_858], %div3A_119 {strides = array<i32>} : memref<605x16xf32, #tpu.memory_space<vmem>>, vector<16xf32>,
        %mul3A_860 = arith.constant 11 : i32
        %mul3A_861 = arith.muli %add3A_422, %mul3A_860 : i32
        %add3A_862 = arith.constant 7 : i32
        %add3A_863 = arith.addi %mul3A_861, %add3A_862 : i32
        %and3A_864 = arith.andi %and3A_433, %and3A_287 : vector<16xi1>
        %gather3A_865 = tpu.vector_load_idx %arg10[%min3A_439, %shift_right_arithmetic3A_296, %and3A_299, %iota3A] : memref<64x8x8x16xf32, #tpu.memory_space<vmem>>[vector<16xi32>, vector<16xi32>, vector<16xi32>, vector<16xi32>], vector<16xf32>,
        %jit3A_866 = arith.constant 3.000000e-01 : f32
        %broadcast_in_dim3A_867 = vector.broadcast %jit3A_866 : f32 to vector<16xf32>
        %select_n3A_868 = arith.select %and3A_864, %gather3A_865, %broadcast_in_dim3A_867 : vector<16xi1>, vector<16xf32>
        %mul3A_869 = arith.constant 4.000000e+00 : f32
        %mul3A_870 = vector.broadcast %mul3A_869 : f32 to vector<16xf32>
        %mul3A_871 = arith.mulf %select_n3A_868, %mul3A_870 : vector<16xf32>
        %convert_element_type3A_872 = arith.fptosi %mul3A_871 : vector<16xf32> to vector<16xi32>
        %swap3A_873 = arith.index_cast %add3A_863 : i32 to index
        %swap3A_874 = arith.constant 0 : index
        %swap3A_875 = tpu.vector_load %arg11[%swap3A_873, %swap3A_874] {strides = array<i32>} : memref<605x16xf32, #tpu.memory_space<vmem>>, vector<16xf32>,
        tpu.vector_store %arg11[%swap3A_873, %swap3A_874], %select_n3A_868 {strides = array<i32>} : memref<605x16xf32, #tpu.memory_space<vmem>>, vector<16xf32>,
        %eq3A_876 = arith.constant 1 : i32
        %eq3A_877 = vector.broadcast %eq3A_876 : i32 to vector<16xi32>
        %eq3A_878 = arith.cmpi eq, %convert_element_type3A_872, %eq3A_877 : vector<16xi32>
        %jit3A_879 = arith.constant 1.000000e+00 : f32
        %jit3A_880 = arith.constant 0.000000e+00 : f32
        %broadcast_in_dim3A_881 = vector.broadcast %jit3A_879 : f32 to vector<16xf32>
        %broadcast_in_dim3A_882 = vector.broadcast %jit3A_880 : f32 to vector<16xf32>
        %select_n3A_883 = arith.select %eq3A_878, %broadcast_in_dim3A_881, %broadcast_in_dim3A_882 : vector<16xi1>, vector<16xf32>
        %add3A_884 = arith.constant 121 : i32
        %add3A_885 = arith.addi %add3A_884, %add3A_863 : i32
        %swap3A_886 = arith.index_cast %add3A_885 : i32 to index
        %swap3A_887 = arith.constant 0 : index
        %swap3A_888 = tpu.vector_load %arg11[%swap3A_886, %swap3A_887] {strides = array<i32>} : memref<605x16xf32, #tpu.memory_space<vmem>>, vector<16xf32>,
        tpu.vector_store %arg11[%swap3A_886, %swap3A_887], %select_n3A_883 {strides = array<i32>} : memref<605x16xf32, #tpu.memory_space<vmem>>, vector<16xf32>,
        %eq3A_889 = arith.constant 2 : i32
        %eq3A_890 = vector.broadcast %eq3A_889 : i32 to vector<16xi32>
        %eq3A_891 = arith.cmpi eq, %convert_element_type3A_872, %eq3A_890 : vector<16xi32>
        %jit3A_892 = arith.constant 1.000000e+00 : f32
        %jit3A_893 = arith.constant 0.000000e+00 : f32
        %broadcast_in_dim3A_894 = vector.broadcast %jit3A_892 : f32 to vector<16xf32>
        %broadcast_in_dim3A_895 = vector.broadcast %jit3A_893 : f32 to vector<16xf32>
        %select_n3A_896 = arith.select %eq3A_891, %broadcast_in_dim3A_894, %broadcast_in_dim3A_895 : vector<16xi1>, vector<16xf32>
        %add3A_897 = arith.constant 242 : i32
        %add3A_898 = arith.addi %add3A_897, %add3A_863 : i32
        %swap3A_899 = arith.index_cast %add3A_898 : i32 to index
        %swap3A_900 = arith.constant 0 : index
        %swap3A_901 = tpu.vector_load %arg11[%swap3A_899, %swap3A_900] {strides = array<i32>} : memref<605x16xf32, #tpu.memory_space<vmem>>, vector<16xf32>,
        tpu.vector_store %arg11[%swap3A_899, %swap3A_900], %select_n3A_896 {strides = array<i32>} : memref<605x16xf32, #tpu.memory_space<vmem>>, vector<16xf32>,
        %eq3A_902 = arith.constant 3 : i32
        %eq3A_903 = vector.broadcast %eq3A_902 : i32 to vector<16xi32>
        %eq3A_904 = arith.cmpi eq, %convert_element_type3A_872, %eq3A_903 : vector<16xi32>
        %jit3A_905 = arith.constant 1.000000e+00 : f32
        %jit3A_906 = arith.constant 0.000000e+00 : f32
        %broadcast_in_dim3A_907 = vector.broadcast %jit3A_905 : f32 to vector<16xf32>
        %broadcast_in_dim3A_908 = vector.broadcast %jit3A_906 : f32 to vector<16xf32>
        %select_n3A_909 = arith.select %eq3A_904, %broadcast_in_dim3A_907, %broadcast_in_dim3A_908 : vector<16xi1>, vector<16xf32>
        %add3A_910 = arith.constant 363 : i32
        %add3A_911 = arith.addi %add3A_910, %add3A_863 : i32
        %swap3A_912 = arith.index_cast %add3A_911 : i32 to index
        %swap3A_913 = arith.constant 0 : index
        %swap3A_914 = tpu.vector_load %arg11[%swap3A_912, %swap3A_913] {strides = array<i32>} : memref<605x16xf32, #tpu.memory_space<vmem>>, vector<16xf32>,
        tpu.vector_store %arg11[%swap3A_912, %swap3A_913], %select_n3A_909 {strides = array<i32>} : memref<605x16xf32, #tpu.memory_space<vmem>>, vector<16xf32>,
        %add3A_915 = arith.constant 484 : i32
        %add3A_916 = arith.addi %add3A_915, %add3A_863 : i32
        %swap3A_917 = arith.index_cast %add3A_916 : i32 to index
        %swap3A_918 = arith.constant 0 : index
        %swap3A_919 = tpu.vector_load %arg11[%swap3A_917, %swap3A_918] {strides = array<i32>} : memref<605x16xf32, #tpu.memory_space<vmem>>, vector<16xf32>,
        tpu.vector_store %arg11[%swap3A_917, %swap3A_918], %div3A_119 {strides = array<i32>} : memref<605x16xf32, #tpu.memory_space<vmem>>, vector<16xf32>,
        %mul3A_920 = arith.constant 11 : i32
        %mul3A_921 = arith.muli %add3A_422, %mul3A_920 : i32
        %add3A_922 = arith.constant 8 : i32
        %add3A_923 = arith.addi %mul3A_921, %add3A_922 : i32
        %and3A_924 = arith.andi %and3A_433, %and3A_309 : vector<16xi1>
        %gather3A_925 = tpu.vector_load_idx %arg10[%min3A_439, %shift_right_arithmetic3A_318, %and3A_321, %iota3A] : memref<64x8x8x16xf32, #tpu.memory_space<vmem>>[vector<16xi32>, vector<16xi32>, vector<16xi32>, vector<16xi32>], vector<16xf32>,
        %jit3A_926 = arith.constant 3.000000e-01 : f32
        %broadcast_in_dim3A_927 = vector.broadcast %jit3A_926 : f32 to vector<16xf32>
        %select_n3A_928 = arith.select %and3A_924, %gather3A_925, %broadcast_in_dim3A_927 : vector<16xi1>, vector<16xf32>
        %mul3A_929 = arith.constant 4.000000e+00 : f32
        %mul3A_930 = vector.broadcast %mul3A_929 : f32 to vector<16xf32>
        %mul3A_931 = arith.mulf %select_n3A_928, %mul3A_930 : vector<16xf32>
        %convert_element_type3A_932 = arith.fptosi %mul3A_931 : vector<16xf32> to vector<16xi32>
        %swap3A_933 = arith.index_cast %add3A_923 : i32 to index
        %swap3A_934 = arith.constant 0 : index
        %swap3A_935 = tpu.vector_load %arg11[%swap3A_933, %swap3A_934] {strides = array<i32>} : memref<605x16xf32, #tpu.memory_space<vmem>>, vector<16xf32>,
        tpu.vector_store %arg11[%swap3A_933, %swap3A_934], %select_n3A_928 {strides = array<i32>} : memref<605x16xf32, #tpu.memory_space<vmem>>, vector<16xf32>,
        %eq3A_936 = arith.constant 1 : i32
        %eq3A_937 = vector.broadcast %eq3A_936 : i32 to vector<16xi32>
        %eq3A_938 = arith.cmpi eq, %convert_element_type3A_932, %eq3A_937 : vector<16xi32>
        %jit3A_939 = arith.constant 1.000000e+00 : f32
        %jit3A_940 = arith.constant 0.000000e+00 : f32
        %broadcast_in_dim3A_941 = vector.broadcast %jit3A_939 : f32 to vector<16xf32>
        %broadcast_in_dim3A_942 = vector.broadcast %jit3A_940 : f32 to vector<16xf32>
        %select_n3A_943 = arith.select %eq3A_938, %broadcast_in_dim3A_941, %broadcast_in_dim3A_942 : vector<16xi1>, vector<16xf32>
        %add3A_944 = arith.constant 121 : i32
        %add3A_945 = arith.addi %add3A_944, %add3A_923 : i32
        %swap3A_946 = arith.index_cast %add3A_945 : i32 to index
        %swap3A_947 = arith.constant 0 : index
        %swap3A_948 = tpu.vector_load %arg11[%swap3A_946, %swap3A_947] {strides = array<i32>} : memref<605x16xf32, #tpu.memory_space<vmem>>, vector<16xf32>,
        tpu.vector_store %arg11[%swap3A_946, %swap3A_947], %select_n3A_943 {strides = array<i32>} : memref<605x16xf32, #tpu.memory_space<vmem>>, vector<16xf32>,
        %eq3A_949 = arith.constant 2 : i32
        %eq3A_950 = vector.broadcast %eq3A_949 : i32 to vector<16xi32>
        %eq3A_951 = arith.cmpi eq, %convert_element_type3A_932, %eq3A_950 : vector<16xi32>
        %jit3A_952 = arith.constant 1.000000e+00 : f32
        %jit3A_953 = arith.constant 0.000000e+00 : f32
        %broadcast_in_dim3A_954 = vector.broadcast %jit3A_952 : f32 to vector<16xf32>
        %broadcast_in_dim3A_955 = vector.broadcast %jit3A_953 : f32 to vector<16xf32>
        %select_n3A_956 = arith.select %eq3A_951, %broadcast_in_dim3A_954, %broadcast_in_dim3A_955 : vector<16xi1>, vector<16xf32>
        %add3A_957 = arith.constant 242 : i32
        %add3A_958 = arith.addi %add3A_957, %add3A_923 : i32
        %swap3A_959 = arith.index_cast %add3A_958 : i32 to index
        %swap3A_960 = arith.constant 0 : index
        %swap3A_961 = tpu.vector_load %arg11[%swap3A_959, %swap3A_960] {strides = array<i32>} : memref<605x16xf32, #tpu.memory_space<vmem>>, vector<16xf32>,
        tpu.vector_store %arg11[%swap3A_959, %swap3A_960], %select_n3A_956 {strides = array<i32>} : memref<605x16xf32, #tpu.memory_space<vmem>>, vector<16xf32>,
        %eq3A_962 = arith.constant 3 : i32
        %eq3A_963 = vector.broadcast %eq3A_962 : i32 to vector<16xi32>
        %eq3A_964 = arith.cmpi eq, %convert_element_type3A_932, %eq3A_963 : vector<16xi32>
        %jit3A_965 = arith.constant 1.000000e+00 : f32
        %jit3A_966 = arith.constant 0.000000e+00 : f32
        %broadcast_in_dim3A_967 = vector.broadcast %jit3A_965 : f32 to vector<16xf32>
        %broadcast_in_dim3A_968 = vector.broadcast %jit3A_966 : f32 to vector<16xf32>
        %select_n3A_969 = arith.select %eq3A_964, %broadcast_in_dim3A_967, %broadcast_in_dim3A_968 : vector<16xi1>, vector<16xf32>
        %add3A_970 = arith.constant 363 : i32
        %add3A_971 = arith.addi %add3A_970, %add3A_923 : i32
        %swap3A_972 = arith.index_cast %add3A_971 : i32 to index
        %swap3A_973 = arith.constant 0 : index
        %swap3A_974 = tpu.vector_load %arg11[%swap3A_972, %swap3A_973] {strides = array<i32>} : memref<605x16xf32, #tpu.memory_space<vmem>>, vector<16xf32>,
        tpu.vector_store %arg11[%swap3A_972, %swap3A_973], %select_n3A_969 {strides = array<i32>} : memref<605x16xf32, #tpu.memory_space<vmem>>, vector<16xf32>,
        %add3A_975 = arith.constant 484 : i32
        %add3A_976 = arith.addi %add3A_975, %add3A_923 : i32
        %swap3A_977 = arith.index_cast %add3A_976 : i32 to index
        %swap3A_978 = arith.constant 0 : index
        %swap3A_979 = tpu.vector_load %arg11[%swap3A_977, %swap3A_978] {strides = array<i32>} : memref<605x16xf32, #tpu.memory_space<vmem>>, vector<16xf32>,
        tpu.vector_store %arg11[%swap3A_977, %swap3A_978], %div3A_119 {strides = array<i32>} : memref<605x16xf32, #tpu.memory_space<vmem>>, vector<16xf32>,
        %mul3A_980 = arith.constant 11 : i32
        %mul3A_981 = arith.muli %add3A_422, %mul3A_980 : i32
        %add3A_982 = arith.constant 9 : i32
        %add3A_983 = arith.addi %mul3A_981, %add3A_982 : i32
        %and3A_984 = arith.andi %and3A_433, %and3A_331 : vector<16xi1>
        %gather3A_985 = tpu.vector_load_idx %arg10[%min3A_439, %shift_right_arithmetic3A_340, %and3A_343, %iota3A] : memref<64x8x8x16xf32, #tpu.memory_space<vmem>>[vector<16xi32>, vector<16xi32>, vector<16xi32>, vector<16xi32>], vector<16xf32>,
        %jit3A_986 = arith.constant 3.000000e-01 : f32
        %broadcast_in_dim3A_987 = vector.broadcast %jit3A_986 : f32 to vector<16xf32>
        %select_n3A_988 = arith.select %and3A_984, %gather3A_985, %broadcast_in_dim3A_987 : vector<16xi1>, vector<16xf32>
        %mul3A_989 = arith.constant 4.000000e+00 : f32
        %mul3A_990 = vector.broadcast %mul3A_989 : f32 to vector<16xf32>
        %mul3A_991 = arith.mulf %select_n3A_988, %mul3A_990 : vector<16xf32>
        %convert_element_type3A_992 = arith.fptosi %mul3A_991 : vector<16xf32> to vector<16xi32>
        %swap3A_993 = arith.index_cast %add3A_983 : i32 to index
        %swap3A_994 = arith.constant 0 : index
        %swap3A_995 = tpu.vector_load %arg11[%swap3A_993, %swap3A_994] {strides = array<i32>} : memref<605x16xf32, #tpu.memory_space<vmem>>, vector<16xf32>,
        tpu.vector_store %arg11[%swap3A_993, %swap3A_994], %select_n3A_988 {strides = array<i32>} : memref<605x16xf32, #tpu.memory_space<vmem>>, vector<16xf32>,
        %eq3A_996 = arith.constant 1 : i32
        %eq3A_997 = vector.broadcast %eq3A_996 : i32 to vector<16xi32>
        %eq3A_998 = arith.cmpi eq, %convert_element_type3A_992, %eq3A_997 : vector<16xi32>
        %jit3A_999 = arith.constant 1.000000e+00 : f32
        %jit3A_1000 = arith.constant 0.000000e+00 : f32
        %broadcast_in_dim3A_1001 = vector.broadcast %jit3A_999 : f32 to vector<16xf32>
        %broadcast_in_dim3A_1002 = vector.broadcast %jit3A_1000 : f32 to vector<16xf32>
        %select_n3A_1003 = arith.select %eq3A_998, %broadcast_in_dim3A_1001, %broadcast_in_dim3A_1002 : vector<16xi1>, vector<16xf32>
        %add3A_1004 = arith.constant 121 : i32
        %add3A_1005 = arith.addi %add3A_1004, %add3A_983 : i32
        %swap3A_1006 = arith.index_cast %add3A_1005 : i32 to index
        %swap3A_1007 = arith.constant 0 : index
        %swap3A_1008 = tpu.vector_load %arg11[%swap3A_1006, %swap3A_1007] {strides = array<i32>} : memref<605x16xf32, #tpu.memory_space<vmem>>, vector<16xf32>,
        tpu.vector_store %arg11[%swap3A_1006, %swap3A_1007], %select_n3A_1003 {strides = array<i32>} : memref<605x16xf32, #tpu.memory_space<vmem>>, vector<16xf32>,
        %eq3A_1009 = arith.constant 2 : i32
        %eq3A_1010 = vector.broadcast %eq3A_1009 : i32 to vector<16xi32>
        %eq3A_1011 = arith.cmpi eq, %convert_element_type3A_992, %eq3A_1010 : vector<16xi32>
        %jit3A_1012 = arith.constant 1.000000e+00 : f32
        %jit3A_1013 = arith.constant 0.000000e+00 : f32
        %broadcast_in_dim3A_1014 = vector.broadcast %jit3A_1012 : f32 to vector<16xf32>
        %broadcast_in_dim3A_1015 = vector.broadcast %jit3A_1013 : f32 to vector<16xf32>
        %select_n3A_1016 = arith.select %eq3A_1011, %broadcast_in_dim3A_1014, %broadcast_in_dim3A_1015 : vector<16xi1>, vector<16xf32>
        %add3A_1017 = arith.constant 242 : i32
        %add3A_1018 = arith.addi %add3A_1017, %add3A_983 : i32
        %swap3A_1019 = arith.index_cast %add3A_1018 : i32 to index
        %swap3A_1020 = arith.constant 0 : index
        %swap3A_1021 = tpu.vector_load %arg11[%swap3A_1019, %swap3A_1020] {strides = array<i32>} : memref<605x16xf32, #tpu.memory_space<vmem>>, vector<16xf32>,
        tpu.vector_store %arg11[%swap3A_1019, %swap3A_1020], %select_n3A_1016 {strides = array<i32>} : memref<605x16xf32, #tpu.memory_space<vmem>>, vector<16xf32>,
        %eq3A_1022 = arith.constant 3 : i32
        %eq3A_1023 = vector.broadcast %eq3A_1022 : i32 to vector<16xi32>
        %eq3A_1024 = arith.cmpi eq, %convert_element_type3A_992, %eq3A_1023 : vector<16xi32>
        %jit3A_1025 = arith.constant 1.000000e+00 : f32
        %jit3A_1026 = arith.constant 0.000000e+00 : f32
        %broadcast_in_dim3A_1027 = vector.broadcast %jit3A_1025 : f32 to vector<16xf32>
        %broadcast_in_dim3A_1028 = vector.broadcast %jit3A_1026 : f32 to vector<16xf32>
        %select_n3A_1029 = arith.select %eq3A_1024, %broadcast_in_dim3A_1027, %broadcast_in_dim3A_1028 : vector<16xi1>, vector<16xf32>
        %add3A_1030 = arith.constant 363 : i32
        %add3A_1031 = arith.addi %add3A_1030, %add3A_983 : i32
        %swap3A_1032 = arith.index_cast %add3A_1031 : i32 to index
        %swap3A_1033 = arith.constant 0 : index
        %swap3A_1034 = tpu.vector_load %arg11[%swap3A_1032, %swap3A_1033] {strides = array<i32>} : memref<605x16xf32, #tpu.memory_space<vmem>>, vector<16xf32>,
        tpu.vector_store %arg11[%swap3A_1032, %swap3A_1033], %select_n3A_1029 {strides = array<i32>} : memref<605x16xf32, #tpu.memory_space<vmem>>, vector<16xf32>,
        %add3A_1035 = arith.constant 484 : i32
        %add3A_1036 = arith.addi %add3A_1035, %add3A_983 : i32
        %swap3A_1037 = arith.index_cast %add3A_1036 : i32 to index
        %swap3A_1038 = arith.constant 0 : index
        %swap3A_1039 = tpu.vector_load %arg11[%swap3A_1037, %swap3A_1038] {strides = array<i32>} : memref<605x16xf32, #tpu.memory_space<vmem>>, vector<16xf32>,
        tpu.vector_store %arg11[%swap3A_1037, %swap3A_1038], %div3A_119 {strides = array<i32>} : memref<605x16xf32, #tpu.memory_space<vmem>>, vector<16xf32>,
        %mul3A_1040 = arith.constant 11 : i32
        %mul3A_1041 = arith.muli %add3A_422, %mul3A_1040 : i32
        %add3A_1042 = arith.constant 10 : i32
        %add3A_1043 = arith.addi %mul3A_1041, %add3A_1042 : i32
        %and3A_1044 = arith.andi %and3A_433, %and3A_353 : vector<16xi1>
        %gather3A_1045 = tpu.vector_load_idx %arg10[%min3A_439, %shift_right_arithmetic3A_362, %and3A_365, %iota3A] : memref<64x8x8x16xf32, #tpu.memory_space<vmem>>[vector<16xi32>, vector<16xi32>, vector<16xi32>, vector<16xi32>], vector<16xf32>,
        %jit3A_1046 = arith.constant 3.000000e-01 : f32
        %broadcast_in_dim3A_1047 = vector.broadcast %jit3A_1046 : f32 to vector<16xf32>
        %select_n3A_1048 = arith.select %and3A_1044, %gather3A_1045, %broadcast_in_dim3A_1047 : vector<16xi1>, vector<16xf32>
        %mul3A_1049 = arith.constant 4.000000e+00 : f32
        %mul3A_1050 = vector.broadcast %mul3A_1049 : f32 to vector<16xf32>
        %mul3A_1051 = arith.mulf %select_n3A_1048, %mul3A_1050 : vector<16xf32>
        %convert_element_type3A_1052 = arith.fptosi %mul3A_1051 : vector<16xf32> to vector<16xi32>
        %swap3A_1053 = arith.index_cast %add3A_1043 : i32 to index
        %swap3A_1054 = arith.constant 0 : index
        %swap3A_1055 = tpu.vector_load %arg11[%swap3A_1053, %swap3A_1054] {strides = array<i32>} : memref<605x16xf32, #tpu.memory_space<vmem>>, vector<16xf32>,
        tpu.vector_store %arg11[%swap3A_1053, %swap3A_1054], %select_n3A_1048 {strides = array<i32>} : memref<605x16xf32, #tpu.memory_space<vmem>>, vector<16xf32>,
        %eq3A_1056 = arith.constant 1 : i32
        %eq3A_1057 = vector.broadcast %eq3A_1056 : i32 to vector<16xi32>
        %eq3A_1058 = arith.cmpi eq, %convert_element_type3A_1052, %eq3A_1057 : vector<16xi32>
        %jit3A_1059 = arith.constant 1.000000e+00 : f32
        %jit3A_1060 = arith.constant 0.000000e+00 : f32
        %broadcast_in_dim3A_1061 = vector.broadcast %jit3A_1059 : f32 to vector<16xf32>
        %broadcast_in_dim3A_1062 = vector.broadcast %jit3A_1060 : f32 to vector<16xf32>
        %select_n3A_1063 = arith.select %eq3A_1058, %broadcast_in_dim3A_1061, %broadcast_in_dim3A_1062 : vector<16xi1>, vector<16xf32>
        %add3A_1064 = arith.constant 121 : i32
        %add3A_1065 = arith.addi %add3A_1064, %add3A_1043 : i32
        %swap3A_1066 = arith.index_cast %add3A_1065 : i32 to index
        %swap3A_1067 = arith.constant 0 : index
        %swap3A_1068 = tpu.vector_load %arg11[%swap3A_1066, %swap3A_1067] {strides = array<i32>} : memref<605x16xf32, #tpu.memory_space<vmem>>, vector<16xf32>,
        tpu.vector_store %arg11[%swap3A_1066, %swap3A_1067], %select_n3A_1063 {strides = array<i32>} : memref<605x16xf32, #tpu.memory_space<vmem>>, vector<16xf32>,
        %eq3A_1069 = arith.constant 2 : i32
        %eq3A_1070 = vector.broadcast %eq3A_1069 : i32 to vector<16xi32>
        %eq3A_1071 = arith.cmpi eq, %convert_element_type3A_1052, %eq3A_1070 : vector<16xi32>
        %jit3A_1072 = arith.constant 1.000000e+00 : f32
        %jit3A_1073 = arith.constant 0.000000e+00 : f32
        %broadcast_in_dim3A_1074 = vector.broadcast %jit3A_1072 : f32 to vector<16xf32>
        %broadcast_in_dim3A_1075 = vector.broadcast %jit3A_1073 : f32 to vector<16xf32>
        %select_n3A_1076 = arith.select %eq3A_1071, %broadcast_in_dim3A_1074, %broadcast_in_dim3A_1075 : vector<16xi1>, vector<16xf32>
        %add3A_1077 = arith.constant 242 : i32
        %add3A_1078 = arith.addi %add3A_1077, %add3A_1043 : i32
        %swap3A_1079 = arith.index_cast %add3A_1078 : i32 to index
        %swap3A_1080 = arith.constant 0 : index
        %swap3A_1081 = tpu.vector_load %arg11[%swap3A_1079, %swap3A_1080] {strides = array<i32>} : memref<605x16xf32, #tpu.memory_space<vmem>>, vector<16xf32>,
        tpu.vector_store %arg11[%swap3A_1079, %swap3A_1080], %select_n3A_1076 {strides = array<i32>} : memref<605x16xf32, #tpu.memory_space<vmem>>, vector<16xf32>,
        %eq3A_1082 = arith.constant 3 : i32
        %eq3A_1083 = vector.broadcast %eq3A_1082 : i32 to vector<16xi32>
        %eq3A_1084 = arith.cmpi eq, %convert_element_type3A_1052, %eq3A_1083 : vector<16xi32>
        %jit3A_1085 = arith.constant 1.000000e+00 : f32
        %jit3A_1086 = arith.constant 0.000000e+00 : f32
        %broadcast_in_dim3A_1087 = vector.broadcast %jit3A_1085 : f32 to vector<16xf32>
        %broadcast_in_dim3A_1088 = vector.broadcast %jit3A_1086 : f32 to vector<16xf32>
        %select_n3A_1089 = arith.select %eq3A_1084, %broadcast_in_dim3A_1087, %broadcast_in_dim3A_1088 : vector<16xi1>, vector<16xf32>
        %add3A_1090 = arith.constant 363 : i32
        %add3A_1091 = arith.addi %add3A_1090, %add3A_1043 : i32
        %swap3A_1092 = arith.index_cast %add3A_1091 : i32 to index
        %swap3A_1093 = arith.constant 0 : index
        %swap3A_1094 = tpu.vector_load %arg11[%swap3A_1092, %swap3A_1093] {strides = array<i32>} : memref<605x16xf32, #tpu.memory_space<vmem>>, vector<16xf32>,
        tpu.vector_store %arg11[%swap3A_1092, %swap3A_1093], %select_n3A_1089 {strides = array<i32>} : memref<605x16xf32, #tpu.memory_space<vmem>>, vector<16xf32>,
        %add3A_1095 = arith.constant 484 : i32
        %add3A_1096 = arith.addi %add3A_1095, %add3A_1043 : i32
        %swap3A_1097 = arith.index_cast %add3A_1096 : i32 to index
        %swap3A_1098 = arith.constant 0 : index
        %swap3A_1099 = tpu.vector_load %arg11[%swap3A_1097, %swap3A_1098] {strides = array<i32>} : memref<605x16xf32, #tpu.memory_space<vmem>>, vector<16xf32>,
        tpu.vector_store %arg11[%swap3A_1097, %swap3A_1098], %div3A_119 {strides = array<i32>} : memref<605x16xf32, #tpu.memory_space<vmem>>, vector<16xf32>,
      }
      %scan3A_370 = arith.constant 11 : i32
      %mul3A_371 = arith.constant 4.000000e+00 : f32
      %mul3A_372 = vector.broadcast %mul3A_371 : f32 to vector<16xf32>
      %mul3A_373 = arith.mulf %select_n3A_122, %mul3A_372 : vector<16xf32>
      %convert_element_type3A_374 = arith.fptosi %mul3A_373 : vector<16xf32> to vector<16xi32>
      %swap3A = arith.constant 60 : i32
      %swap3A_375 = arith.index_cast %swap3A : i32 to index
      %swap3A_376 = arith.constant 0 : index
      %swap3A_377 = tpu.vector_load %arg11[%swap3A_375, %swap3A_376] {strides = array<i32>} : memref<605x16xf32, #tpu.memory_space<vmem>>, vector<16xf32>,
      tpu.vector_store %arg11[%swap3A_375, %swap3A_376], %select_n3A_122 {strides = array<i32>} : memref<605x16xf32, #tpu.memory_space<vmem>>, vector<16xf32>,
      %eq3A_378 = arith.constant 1 : i32
      %eq3A_379 = vector.broadcast %eq3A_378 : i32 to vector<16xi32>
      %eq3A_380 = arith.cmpi eq, %convert_element_type3A_374, %eq3A_379 : vector<16xi32>
      %jit3A_381 = arith.constant 1.000000e+00 : f32
      %jit3A_382 = arith.constant 0.000000e+00 : f32
      %broadcast_in_dim3A_383 = vector.broadcast %jit3A_381 : f32 to vector<16xf32>
      %broadcast_in_dim3A_384 = vector.broadcast %jit3A_382 : f32 to vector<16xf32>
      %select_n3A_385 = arith.select %eq3A_380, %broadcast_in_dim3A_383, %broadcast_in_dim3A_384 : vector<16xi1>, vector<16xf32>
      %swap3A_386 = arith.constant 181 : i32
      %swap3A_387 = arith.index_cast %swap3A_386 : i32 to index
      %swap3A_388 = arith.constant 0 : index
      %swap3A_389 = tpu.vector_load %arg11[%swap3A_387, %swap3A_388] {strides = array<i32>} : memref<605x16xf32, #tpu.memory_space<vmem>>, vector<16xf32>,
      tpu.vector_store %arg11[%swap3A_387, %swap3A_388], %select_n3A_385 {strides = array<i32>} : memref<605x16xf32, #tpu.memory_space<vmem>>, vector<16xf32>,
      %eq3A_390 = arith.constant 2 : i32
      %eq3A_391 = vector.broadcast %eq3A_390 : i32 to vector<16xi32>
      %eq3A_392 = arith.cmpi eq, %convert_element_type3A_374, %eq3A_391 : vector<16xi32>
      %jit3A_393 = arith.constant 1.000000e+00 : f32
      %jit3A_394 = arith.constant 0.000000e+00 : f32
      %broadcast_in_dim3A_395 = vector.broadcast %jit3A_393 : f32 to vector<16xf32>
      %broadcast_in_dim3A_396 = vector.broadcast %jit3A_394 : f32 to vector<16xf32>
      %select_n3A_397 = arith.select %eq3A_392, %broadcast_in_dim3A_395, %broadcast_in_dim3A_396 : vector<16xi1>, vector<16xf32>
      %swap3A_398 = arith.constant 302 : i32
      %swap3A_399 = arith.index_cast %swap3A_398 : i32 to index
      %swap3A_400 = arith.constant 0 : index
      %swap3A_401 = tpu.vector_load %arg11[%swap3A_399, %swap3A_400] {strides = array<i32>} : memref<605x16xf32, #tpu.memory_space<vmem>>, vector<16xf32>,
      tpu.vector_store %arg11[%swap3A_399, %swap3A_400], %select_n3A_397 {strides = array<i32>} : memref<605x16xf32, #tpu.memory_space<vmem>>, vector<16xf32>,
      %eq3A_402 = arith.constant 3 : i32
      %eq3A_403 = vector.broadcast %eq3A_402 : i32 to vector<16xi32>
      %eq3A_404 = arith.cmpi eq, %convert_element_type3A_374, %eq3A_403 : vector<16xi32>
      %jit3A_405 = arith.constant 1.000000e+00 : f32
      %jit3A_406 = arith.constant 0.000000e+00 : f32
      %broadcast_in_dim3A_407 = vector.broadcast %jit3A_405 : f32 to vector<16xf32>
      %broadcast_in_dim3A_408 = vector.broadcast %jit3A_406 : f32 to vector<16xf32>
      %select_n3A_409 = arith.select %eq3A_404, %broadcast_in_dim3A_407, %broadcast_in_dim3A_408 : vector<16xi1>, vector<16xf32>
      %swap3A_410 = arith.constant 423 : i32
      %swap3A_411 = arith.index_cast %swap3A_410 : i32 to index
      %swap3A_412 = arith.constant 0 : index
      %swap3A_413 = tpu.vector_load %arg11[%swap3A_411, %swap3A_412] {strides = array<i32>} : memref<605x16xf32, #tpu.memory_space<vmem>>, vector<16xf32>,
      tpu.vector_store %arg11[%swap3A_411, %swap3A_412], %select_n3A_409 {strides = array<i32>} : memref<605x16xf32, #tpu.memory_space<vmem>>, vector<16xf32>,
      %dma_start3A_414 = arith.constant 0 : i32
      %dma_start3A_415 = tpu.memref_slice %arg9[%dma_start3A_414, %multiple_of3A_21] : memref<605x4096xf32, #tpu.memory_space<hbm>> -> memref<605x16xf32, #tpu.memory_space<hbm>>
      %dma_start3A_416 = arith.constant 0 : i32
      %dma_start3A_417 = tpu.memref_slice %arg9[%dma_start3A_416, %multiple_of3A_21] : memref<605x4096xf32, #tpu.memory_space<hbm>> -> memref<605x16xf32, #tpu.memory_space<hbm>>
      tpu.enqueue_dma source(%arg11 : memref<605x16xf32, #tpu.memory_space<vmem>>) target(%dma_start3A_417 : memref<605x16xf32, #tpu.memory_space<hbm>>) target_semaphore(%arg19 : memref<!tpu.dma_semaphore, #tpu.memory_space<semaphore_mem>>)
    }
    %scan3A_6 = arith.constant 8 : i32
    %add3A_7 = arith.constant 112 : i32
    %add3A_8 = arith.addi %multiple_of3A, %add3A_7 : i32
    %multiple_of3A_9 = tpu.assume_multiple %add3A_8, 16 : i32
    %dma_wait3A = arith.constant 0 : i32
    %dma_wait3A_10 = tpu.memref_slice %arg9[%dma_wait3A, %multiple_of3A_9] : memref<605x4096xf32, #tpu.memory_space<hbm>> -> memref<605x16xf32, #tpu.memory_space<hbm>>
    %dma_wait3A_11 = arith.constant 0 : i32
    %dma_wait3A_12 = tpu.memref_slice %arg9[%dma_wait3A_11, %multiple_of3A_9] : memref<605x4096xf32, #tpu.memory_space<hbm>> -> memref<605x16xf32, #tpu.memory_space<hbm>>
    tpu.wait_dma2 semaphore(%arg19 : memref<!tpu.dma_semaphore, #tpu.memory_space<semaphore_mem>>) src(%arg11 : memref<605x16xf32, #tpu.memory_space<vmem>>) dst(%dma_wait3A_12 : memref<605x16xf32, #tpu.memory_space<hbm>>)
    return
  }
}

</mosaic_0001>

<sc_bundles>
// kernel: kernel.3.cloned.1.call-start
scs
__scs_entry_jumppad:
0x0: {  	(pc) =	sbr.rel $0x88, $3  }
0x1: {  	(tag) =	ssettag $0x0;
	lr =	simm.s32 $0x1  }
0x2: {  	[smem:$0x3F9C] =	sst lr;
	_ =	strace $0xD0000000  }
0x3: {  	_ = 	snop  }
0x4: {  	_ = 	snop  }
0x5: {  	_ = 	snop  }
0x6: {  	_ = 	snop  }
0x7: {  	_ = 	snop  }
__scs_overlays_trampoline_lowered:
0x8: {  	[smem:$0x3FAB] =	sst s0  }
0x9: {  	[smem:$0x3FAC] =	sst s1  }
0xa: {  	[smem:$0x3FAD] =	sst s2  }
0xb: {  	[smem:$0x3FAE] =	sst s3  }
0xc: {  	[smem:$0x3FAF] =	sst s4  }
0xd: {  	[smem:$0x3FB0] =	sst s5  }
0xe: {  	[smem:$0x3FB1] =	sst s6  }
0xf: {  	[smem:$0x3FB2] =	sst s7  }
0x10: {  	[smem:$0x3FB3] =	sst s8  }
0x11: {  	[smem:$0x3FB4] =	sst s9;
	s0 =	simm.s32 @!p0 $0x0  }
0x12: {  	s1 =	sld [smem:$0x3F9A];
	s0 =	simm.s32 @p0 $0x1  }
0x13: {  	[smem:$0x3FB5] =	sst s0;
	s0 =	simm.s32 @!p1 $0x0  }
0x14: {  	s2 =	sld [smem:$0x3F99];
	s0 =	simm.s32 @p1 $0x1  }
0x15: {  	[smem:$0x3FB6] =	sst s0;
	s0 =	simm.s32 @!p2 $0x0  }
0x16: {  	s3 =	sld [smem:$0x3FDB];
	s0 =	simm.s32 @p2 $0x1  }
0x17: {  	s4 =	simm.s32 $0x1BF5;
	[smem:$0x3FB8] =	sst s0  }
0x18: {  	s0 =	sld [smem:$0x3F9B];
	_ =	swait.ge [sflag:s4], $0x0  }
0x19: {  	s7 =	sld [smem:$0x3F9C]  }
0x1a: {  	s8 =	sadd.s32 $0xFFFFE003, lr  }
0x1b: {  	s9 =	sadd.s32 $0xFFFFFEF7, lr;
	s5 =	simm.s32 $0xFFFFFFFF;
	p2 =	slt.u32 s8, $0xFFFFF086  }
0x1c: {  	p1 =	slt.u32 s9, $0xF7A;
	s5 =	simm.s32 @!p2 $0x0  }
0x1d: {  	s5 =	simm.s32 @p1 $0x1;
	p0 =	seq.s32 s7, s2  }
0x1e: {  	s7 =	smul.u32 @!p0 $0xF7A, s2;
	p2 =	seq.s32 @!p0 s5, $0x0  }
0x1f: {  	s9 =	smul.u32 $0xF7A, s1;
	s8 =	simm.s32 @!p0 $0x1BF5;
	p2 =	por !p2, p0  }
0x20: {  	[sflag:s8] =	ssyncset.s32 @!p0 $0xFFFFF086;
	s6 =	sadd.s32 @!p0 s3, s7;
	s7 =	simm.s32 @!p0 $0x108  }
0x21: {  	s3 =	sadd.s32 s3, s9;
	s6 =	sadd.s32 @!p0 $0x88, s6;
	s7 =	simm.s32 @p2 $0x1082  }
0x22: {  	[simem:s7], [sflag:s8] =	dma.local @!p0 [hbm:s6], $0xF7A  }
0x23: {  	s9 =	sor.u32 $0xD0000000, s2;
	s6 =	simm.s32 $0x108;
	_ =	swait.ge @!p0 [sflag:s8], $0x0  }
0x24: {  	s3 =	sadd.s32 $0x88, s3;
	s6 =	simm.s32 @!p1 $0x1082;
	[sflag:s4] =	ssyncset.s32 $0xFFFFF086  }
0x25: {  	[simem:s6], [sflag:s4] =	dma.local [hbm:s3], $0xF7A  }
0x26: {  	[smem:$0x3F9C] =	sst s1;
	(tag) =	ssettag s2;
	_ =	strace s9  }
0x27: {  	s1 =	sld [smem:$0x3FAC]  }
0x28: {  	s2 =	sld [smem:$0x3FAD]  }
0x29: {  	s4 =	sld [smem:$0x3FAF]  }
0x2a: {  	p0 =	seq.s32 s5, $0x0;
	s5 =	sld [smem:$0x3FB0]  }
0x2b: {  	s6 =	sld [smem:$0x3FB1]  }
0x2c: {  	s7 =	sld [smem:$0x3FB2]  }
0x2d: {  	s3 =	simm.s32 $0x108;
	s8 =	sld [smem:$0x3FB3]  }
0x2e: {  	s3 =	simm.s32 @!p0 $0x1082;
	s9 =	sld [smem:$0x3FB4]  }
0x2f: {  	lr =	sadd.s32 s0, s3;
	s0 =	sld [smem:$0x3FAB]  }
0x30: {  	s3 =	sld [smem:$0x3FAE]  }
0x31: {  	[smem:$0x3FB7] =	sst s10  }
0x32: {  	s10 =	sld [smem:$0x3FB5];
	_ =	sdelay $0x3  }
0x33: {  	p0 =	seq.s32 s10, $0x1;
	s10 =	sld [smem:$0x3FB7];
	_ =	sdelay $0x3  }
0x34: {  	[smem:$0x3FB7] =	sst s10  }
0x35: {  	s10 =	sld [smem:$0x3FB6];
	_ =	sdelay $0x3  }
0x36: {  	p1 =	seq.s32 s10, $0x1;
	s10 =	sld [smem:$0x3FB7];
	_ =	sdelay $0x3  }
0x37: {  	[smem:$0x3FB7] =	sst s10  }
0x38: {  	s10 =	sld [smem:$0x3FB8]  }
0x39: {  	_ = 	snop;
	(pc) =	sbr.ind lr, $3  }
0x3a: {  	_ = 	snop  }
0x3b: {  	_ = 	snop  }
0x3c: {  	p2 =	seq.s32 s10, $0x1;
	s10 =	sld [smem:$0x3FB7]  }
0x3d: {  	_ =	shalt  }
0x3e: {  	_ =	shalt  }
0x3f: {  	_ =	shalt  }
0x40: {  	_ =	shalt  }
0x41: {  	_ =	shalt  }
0x42: {  	_ =	shalt  }
0x43: {  	_ =	shalt  }
0x44: {  	_ =	shalt  }
0x45: {  	_ =	shalt  }
0x46: {  	_ =	shalt  }
0x47: {  	_ =	shalt  }
0x48: {  	_ =	shalt  }
0x49: {  	_ =	shalt  }
0x4a: {  	_ =	shalt  }
0x4b: {  	_ =	shalt  }
0x4c: {  	_ =	shalt  }
0x4d: {  	_ =	shalt  }
0x4e: {  	_ =	shalt  }
0x4f: {  	_ =	shalt  }
0x50: {  	_ =	shalt  }
0x51: {  	_ =	shalt  }
0x52: {  	_ =	shalt  }
0x53: {  	_ =	shalt  }
0x54: {  	_ =	shalt  }
0x55: {  	_ =	shalt  }
0x56: {  	_ =	shalt  }
0x57: {  	_ =	shalt  }
0x58: {  	_ =	shalt  }
0x59: {  	_ =	shalt  }
0x5a: {  	_ =	shalt  }
0x5b: {  	_ =	shalt  }
0x5c: {  	_ =	shalt  }
0x5d: {  	_ =	shalt  }
0x5e: {  	_ =	shalt  }
0x5f: {  	_ =	shalt  }
0x60: {  	_ =	shalt  }
0x61: {  	_ =	shalt  }
0x62: {  	_ =	shalt  }
0x63: {  	_ =	shalt  }
0x64: {  	_ =	shalt  }
0x65: {  	_ =	shalt  }
0x66: {  	_ =	shalt  }
0x67: {  	_ =	shalt  }
0x68: {  	_ =	shalt  }
0x69: {  	_ =	shalt  }
0x6a: {  	_ =	shalt  }
0x6b: {  	_ =	shalt  }
0x6c: {  	_ =	shalt  }
0x6d: {  	_ =	shalt  }
0x6e: {  	_ =	shalt  }
0x6f: {  	_ =	shalt  }
0x70: {  	_ =	shalt  }
0x71: {  	_ =	shalt  }
0x72: {  	_ =	shalt  }
0x73: {  	_ =	shalt  }
0x74: {  	_ =	shalt  }
0x75: {  	_ =	shalt  }
0x76: {  	_ =	shalt  }
0x77: {  	_ =	shalt  }
0x78: {  	_ =	shalt  }
0x79: {  	_ =	shalt  }
0x7a: {  	_ =	shalt  }
0x7b: {  	_ =	shalt  }
0x7c: {  	_ =	shalt  }
0x7d: {  	_ =	shalt  }
0x7e: {  	_ =	shalt  }
0x7f: {  	_ =	shalt  }
0x80: {  	_ =	shalt  }
0x81: {  	_ =	shalt  }
0x82: {  	_ =	shalt  }
0x83: {  	_ =	shalt  }
0x84: {  	_ =	shalt  }
0x85: {  	_ =	shalt  }
0x86: {  	_ =	shalt  }
0x87: {  	_ =	shalt  }
.Lfunc_end0:
.L_simem_size_0:
called_computation_lowered:
.L_overlay_start_0:
0x88: {  	s2 =	sld [smem:$0x3FD9]  }
0x89: {  	s3 =	sld [smem:$0x3FFE];
	_ =	sdelay $0x1  }
0x8a: {  	s1 =	srdreg.scid  }
0x8b: {  	s0 =	sand.u32 $0x1, s1  }
0x8c: {  	s17 =	sshll.u32 s0, $0xA;
	s2 =	sadd.s32 s3, s2  }
0x8d: {  	s2 =	sadd.s32 s2, s17  }
0x8e: {  	[smem:$0x3FC3] =	sst s2  }
0x8f: {  	_ = 	snop  }
0x90: {  	s2 =	sld [smem:$0x3FC9]  }
0x91: {  	s18 =	sld [smem:$0x3FC8]  }
0x92: {  	s4 =	sld [smem:$0x3FC7]  }
0x93: {  	s5 =	sld [smem:$0x3FC6]  }
0x94: {  	s6 =	sld [smem:$0x3FC5]  }
0x95: {  	s7 =	sld [smem:$0x3FD0];
	(tm) =	ssettm $0x1  }
0x96: {  	s8 =	sld [smem:$0x3FFB];
	_ =	sdelay $0x3  }
0x97: {  	_ =	strace s8  }
0x98: {  	s8 =	sld [smem:$0x3FFC];
	_ =	sdelay $0x3  }
0x99: {  	_ =	strace s8  }
0x9a: {  	s8 =	sld [smem:$0x3FFD];
	_ =	sdelay $0x3  }
0x9b: {  	_ =	strace s8  }
0x9c: {  	_ =	strace $0x8FFFFFFF  }
0x9d: {  	s19 =	sld [smem:$0x3FDB];
	_ =	sdelay $0x1  }
0x9e: {  	s9 =	simm.s32 $_scs_section_size  }
0x9f: {  	s10 =	simm.s32 $_size__tile_overlayer_lowered;
	s11 =	simm.s32 $_tile_overlayer_lowered  }
0xa0: {  	s22 =	simm.s32 $0x1BFF;
	s21 =	sshll.u32 s11, $0x1;
	s8 =	sadd.s32 s9, s19  }
0xa1: {  	s12 =	simm.s32 $0x0;
	s20 =	sshll.u32 s10, $0x1;
	s10 =	sadd.s32 s21, s8  }
0xa2: {  	[timem:s12], [sflag:s22] =	dma.local [hbm:s10], s20  }
0xa3: {  	_ =	swait.ge [sflag:s22], s20  }
0xa4: {  	s9 =	ssub.s32 $0x0, s20;
	[sflag:s22] =	ssyncset.done $0x0  }
0xa5: {  	[sflag:s22] =	ssyncadd.s32 s9;
	_ =	sdelay $0x1  }
0xa6: {  	s23 =	simm.s32 $0x1B8B  }
0xa7: {  	_ =	swait.ge [sflag:s23], $0x1  }
0xa8: {  	[sflag:s23] =	ssyncset.done $0x0  }
0xa9: {  	s25 =	simm.s32 $0x1B8E;
	s24 =	sld [smem:$0x3FFE];
	[sflag:s23] =	ssyncadd.s32 $0xFFFFFFFF  }
0xaa: {  	s26 =	simm.s32 $execute0_lowered;
	[smem:$0x3FD2] =	sst s25  }
0xab: {  	s10 =	sshll.u32 s26, $0x1;
	_ =	strace $0x80000046;
	[dreg:$0x1] =	wrdreg $0xFFFFFFFF  }
0xac: {  	s28 =	simm.s32 $_size_execute0_lowered;
	s8 =	sadd.s32 s8, s10;
	[dreg:$0x0] =	wrdreg $0x0  }
0xad: {  	s10 =	sshll.u32 s28, $0x1;
	[dreg:$0x2] =	wrdreg s8  }
0xae: {  	[dreg:$0x3] =	wrdreg s10  }
0xaf: {  	[dreg:$0x4] =	wrdreg $0xC0  }
0xb0: {  	_ =	task [dreg:s12], $0x5FFFF  }
0xb1: {  	[dreg:$0x1] =	wrdreg $0xFFFFFFFF  }
0xb2: {  	[dreg:$0x0] =	wrdreg $0x60  }
0xb3: {  	[dreg:$0x2] =	wrdreg s2  }
0xb4: {  	[dreg:$0x3] =	wrdreg s18  }
0xb5: {  	[dreg:$0x4] =	wrdreg s4  }
0xb6: {  	[dreg:$0x5] =	wrdreg s5  }
0xb7: {  	[dreg:$0x6] =	wrdreg s6  }
0xb8: {  	[dreg:$0x7] =	wrdreg s7  }
0xb9: {  	[dreg:$0x8] =	wrdreg s24  }
0xba: {  	[dreg:$0x9] =	wrdreg $0x9  }
0xbb: {  	_ =	task.clear_ibuf [dreg:s12], $0xAFFFF;
	_ =	strace $0x90000046  }
0xbc: {  	s29 =	simm.s32 $0x9;
	_ =	strace $0x80000048  }
0xbd: {  	_ =	swait.ge [sflag:s29], $0x1  }
0xbe: {  	[sflag:s29] =	ssyncadd.s32 $0xFFFFFFFF  }
0xbf: {  	_ =	strace $0x90000048  }
0xc0: {  	_ =	sfence  }
0xc1: {  	s30 =	sld [smem:$0x0];
	_ =	sdelay $0x2  }
0xc2: {  	s31 =	sshll.u32 s1, $0xD;
	s1 =	sshrl.u32 s1, $0x2  }
0xc3: {  	s3 =	sand.u32 $0x4000, s31;
	s1 =	sadd.s32 s1, s30  }
0xc4: {  	s0 =	sor.u32 s3, s0;
	s1 =	sshll.u32 s1, $0x11  }
0xc5: {  	s0 =	sor.u32 s1, s0  }
0xc6: {  	s0 =	sadd.s32 $0x8F2B, s0  }
0xc7: {  	[sflag:s0] =	ssyncadd.remote.s32 $0x1  }
0xc8: {  	_ =	sfence.sel $0xFFFF  }
0xc9: {  	[dreg:$0x0] =	wrdreg $0xFFFFFFFF;
	(pc) =	sbr.abs _section_cstart, $3  }
0xca: {  	[dreg:$0x1] =	wrdreg $0xFFFFFFFF  }
0xcb: {  	_ =	task.clear_ibuf [dreg:s12], $0x2FFFF;
	_ =	strace $0x9FFFFFFF  }
0xcc: {  	(tm) =	ssettm $0x7FFFFFFF  }
0xcd: {  	_ =	shalt  }
tec
execute0_lowered:
.L_overlay_start_1:
0x0: {  	(tag) =	ssettag $0x1  }
0x1: {  	s0 =	rddreg [dreg:$0x0]  }
0x2: {  	s1 =	rddreg [dreg:$0x1]  }
0x3: {  	s2 =	rddreg [dreg:$0x2]  }
0x4: {  	s3 =	rddreg [dreg:$0x3]  }
0x5: {  	s11 =	rddreg [dreg:$0x4]  }
0x6: {  	s6 =	rddreg [dreg:$0x6];
	s4 =	simm.s32 $0x0  }
0x7: {  	[smem:$0x7FF] =	sst s4  }
0x8: {  	s5 =	srdreg.scid;
	s9 =	stileid.u32;
	v0 =	vimm.f32 $1.000000000e+02;
	_ =	strace $0x80000047  }
0x9: {  	s15 =	simm.s32 $0x3;
	s16 =	simm.s32 $0x12650;
	s17 =	simm.s32 $0x126D0;
	(erf) = vrcp.f32 v0  }
0xa: {  	s18 =	simm.s32 $0x12750;
	s19 =	simm.s32 $0x127D0;
	s20 =	simm.s32 $0x127E0  }
0xb: {  	s21 =	simm.s32 $0x10;
	s22 =	simm.s32 $0x80;
	s23 =	simm.s32 $0x1  }
0xc: {  	s24 =	simm.s32 $0x1000;
	s25 =	simm.s32 $0x10000;
	s26 =	simm.s32 $0x2  }
0xd: {  	s28 =	simm.s32 $0x0;
	s7 =	sand.u32 $0x1, s5;
	s9 =	sshll.u32 s9, $0x1  }
0xe: {  	s5 =	sadd.s32 $0x400, s6;
	s8 =	ssub.s32 $0x2, s7;
	s12 =	sor.u32 s7, s9  }
0xf: {  	s6 =	sadd.s32 $0x600, s6;
	s10 =	sshrl.u32 s8, $0x1;
	s14 =	sshll.u32 s12, $0x4  }
0x10: {  	s7 =	sshll.u32 s12, $0x7;
	s12 =	sshll.u32 s12, $0xA;
	v0 =	vlaneseq.u32;
	s13 =	ssub.s32 s8, s10  }
0x11: {  	v1 =	vimm.f32 $0.0e+00;
	s8 =	sadd.s32 s1, s14;
	s9 =	sadd.s32 s2, s14;
	s10 =	sadd.s32 s3, s14;
	v2 =	vor.u32 $0x10, v0;
	v3 =	vor.u32 $0x20, v0  }
0x12: {  	s11 =	sadd.s32 s11, s14;
	s14 =	simm.s32 $0x125D0;
	v5 =	vor.u32 $0x30, v0;
	v6 =	vor.u32 $0x40, v0;
	v7 =	vor.u32 $0x50, v0;
	s13 =	smax.u32 s13, $0x1;
	v4 =	vpop (erf)  }
.LBB2_1:
0x13: {  	[tilespmem:s14], [sflag:$0x3] =	stream.linear.gather [hbm4b:s8+s4], $0x80, $0x38;
	[tilespmem:$0x127F0] =	vst v63  }
0x14: {  	_ =	swait.ge [sflag:s15], $0x80  }
0x15: {  	[sflag:s15] =	ssyncset.done $0x0  }
0x16: {  	[sflag:s15] =	ssyncadd.s32 $0xFFFFFF80  }
0x17: {  	[tilespmem:s16], [sflag:$0x3] =	stream.linear.gather [hbm4b:s9+s4], $0x80, $0x38;
	[tilespmem:$0x127F0] =	vst v63  }
0x18: {  	_ =	swait.ge [sflag:s15], $0x80  }
0x19: {  	[sflag:s15] =	ssyncset.done $0x0  }
0x1a: {  	[sflag:s15] =	ssyncadd.s32 $0xFFFFFF80  }
0x1b: {  	[tilespmem:s17], [sflag:$0x3] =	stream.linear.gather [hbm4b:s10+s4], $0x80, $0x38;
	[tilespmem:$0x127F0] =	vst v63  }
0x1c: {  	_ =	swait.ge [sflag:s15], $0x80  }
0x1d: {  	[sflag:s15] =	ssyncset.done $0x0  }
0x1e: {  	[sflag:s15] =	ssyncadd.s32 $0xFFFFFF80  }
0x1f: {  	[tilespmem:s18], [sflag:$0x3] =	stream.linear.gather [hbm4b:s11+s4], $0x80, $0x38;
	[tilespmem:$0x127F0] =	vst v63  }
0x20: {  	_ =	swait.ge [sflag:s15], $0x80  }
0x21: {  	[sflag:s15] =	ssyncset.done $0x0  }
0x22: {  	[sflag:s15] =	ssyncadd.s32 $0xFFFFFF80  }
0x23: {  	s1 =	rddreg [dreg:$0x5]  }
0x24: {  	[tilespmem:s19], [sflag:$0x3] =	stream.linear.gather [hbm4b:s1+s4], $0x10, $0x38;
	[tilespmem:$0x127F0] =	vst v63  }
0x25: {  	_ =	swait.ge [sflag:s15], $0x10  }
0x26: {  	[sflag:s15] =	ssyncset.done $0x0  }
0x27: {  	[sflag:s15] =	ssyncadd.s32 $0xFFFFFFF0  }
0x28: {  	[tilespmem:s20], [sflag:$0x3] =	stream.linear.gather [hbm4b:s5+s4], $0x10, $0x38;
	[tilespmem:$0x127F0] =	vst v63  }
0x29: {  	_ =	swait.ge [sflag:s15], $0x10  }
0x2a: {  	[sflag:s15] =	ssyncset.done $0x0  }
0x2b: {  	s29 =	simm.s32 $0x0;
	[sflag:s15] =	ssyncadd.s32 $0xFFFFFFF0  }
.LBB2_2:
0x2c: {  	s1 =	sshll.u32 s29, $0x4  }
0x2d: {  	v11 =	vld [tilespmem:s1+$0x12650];
	_ =	sdelay $0x4  }
0x2e: {  	v8 =	vld [tilespmem:s1+$0x126D0]  }
0x2f: {  	v9 =	vld [tilespmem:s1+$0x12750];
	s2 =	sadd.s32 s12, s1  }
0x30: {  	v13 =	vld [tilespmem:s1+$0x125D0];
	s2 =	sshrl.u32 s2, $0x3  }
0x31: {  	s3 =	sadd.s32 s0, s2;
	v10 =	vld.idx.msk [tilespmem:v11+s19+$0x0], $0xffff  }
0x32: {  	s31 =	simm.s32 $0x200;
	s30 =	simm.s32 $0x0;
	s2 =	sadd.s32 $0x1000, s3;
	v11 =	vld.idx.msk [tilespmem:v11+s20+$0x0], $0xffff  }
.LBB2_3:
0x33: {  	[tilespmem:s30], [sflag:$0x1] =	stream.strided.gather [hbm4b:s3+s21], $0x80, s22, s21, $0x38;
	[tilespmem:$0x127F0] =	vst v63  }
0x34: {  	s30 =	smov.u32 s31;
	s3 =	smov.u32 s2;
	p0 =	sne.s32 s31, $0x3FE00  }
.Ltmp0:
0x35: {  	s31 =	sadd.s32 $0x200, s31;
	(pc) =	sbr.rel @p0 .LBB2_3-.Ltmp0, $2  }
0x36: {  	_ =	sdelay $0x2  }
0x37: {  	s2 =	sadd.s32 $0x1000, s2;
	s30 =	sshra.s32 s30, $0x2  }
0x38: {  	vm0 =	vgt.s32 v8, $0x1;
	vm1 =	vgt.s32 v9, $0x1  }
0x39: {  	v8 =	vnsel vm0, $0x1, v8;
	v9 =	vnsel vm1, $0x1, v9  }
0x3a: {  	v8 =	vmin.u32 v8, $0x3E;
	v9 =	vmin.u32 v9, $0x3E  }
0x3b: {  	v10 =	vadd.s32 v8, v10;
	v11 =	vadd.s32 v9, v11  }
0x3c: {  	vm0 =	vgt.s32 v10, $0x1;
	vm1 =	vgt.s32 v11, $0x1  }
0x3d: {  	v10 =	vnsel vm0, $0x1, v10;
	v11 =	vnsel vm1, $0x1, v11  }
0x3e: {  	v10 =	vmin.u32 v10, $0x3E;
	v11 =	vmin.u32 v11, $0x3E  }
0x3f: {  	v12 =	vshll.u32 v11, $0xA;
	v14 =	vshll.u32 v10, $0x4  }
0x40: {  	v12 =	vor.u32 v14, v12  }
0x41: {  	v12 =	vor.u32 v0, v12  }
0x42: {  	[tilespmem:s30], [sflag:$0x1] =	stream.strided.gather [hbm4b:s3+s21], $0x80, s22, s21, $0x38;
	[tilespmem:$0x127F0] =	vst v63  }
0x43: {  	_ =	swait.ge [sflag:s23], $0x10000  }
0x44: {  	[sflag:s23] =	ssyncset.done $0x0  }
0x45: {  	[sflag:s23] =	ssyncadd.s32 $0xFFFF0000  }
0x46: {  	v12 =	vld.idx.msk [tilespmem:v12+s4+$0x0], $0xffff;
	_ =	sdelay $0x4  }
0x47: {  	v12 =	vmul.f32 $4.000000000e+00, v12;
	_ =	sdelay $0x1  }
0x48: {  	v12 =	vtrunc.f32 v12  }
0x49: {  	v12 =	vcvt.f32.s32 v12;
	_ =	sdelay $0x1  }
0x4a: {  	vm0 =	veq.s32 v12, $0x1  }
0x4b: {  	v24 =	vsel vm0, v8, v10  }
0x4c: {  	v9 =	vsel vm0, v9, v11;
	v19 =	vshll.u32 v24, $0x4  }
0x4d: {  	v8 =	vshll.u32 v9, $0xA;
	v10 =	vor.u32 v0, v19  }
0x4e: {  	p0 =	seq.s32 s29, $0x0;
	v8 =	vor.u32 v8, v10  }
0x4f: {  	s2 =	simm.s32 @!p0 $0x2  }
0x50: {  	_ =	swait.ge @!p0 [sflag:s2], $0x25D0  }
0x51: {  	s3 =	simm.s32 $0xFFFFFFFB;
	[sflag:s2] =	ssyncset.done @!p0 $0x0  }
0x52: {  	[sflag:s2] =	ssyncadd.s32 @!p0 $0xFFFFDA30;
	v11 =	vmax.u32 v24, $0x5;
	v14 =	vadd.s32 s3, v9  }
0x53: {  	v11 =	vshll.u32 v11, $0x4;
	vm0 =	vgt.s32 v14, $0x0;
	v8 =	vld.idx.msk [tilespmem:v8+s4+$0x0], $0xffff  }
0x54: {  	v11 =	vadd.s32 $0x7FFFFFB0, v11;
	v12 =	vnsel vm0, $0x0, v14  }
0x55: {  	v11 =	vand.u32 $0x7FFFFFF0, v11;
	v15 =	vmin.u32 v12, $0x3F  }
0x56: {  	v12 =	vor.u32 v0, v11;
	v15 =	vshll.u32 v15, $0xA  }
0x57: {  	v16 =	vadd.s32 v12, v15  }
0x58: {  	v11 =	vmul.f32 $4.000000000e+00, v8;
	_ =	sdelay $0x1  }
0x59: {  	v11 =	vtrunc.f32 v11  }
0x5a: {  	v11 =	vcvt.f32.s32 v11  }
0x5b: {  	v16 =	vld.idx.msk [tilespmem:v16+s4+$0x0], $0xffff  }
0x5c: {  	vm0 =	veq.s32 v11, $0x2;
	vm1 =	veq.s32 v11, $0x3  }
0x5d: {  	v17 =	vsel vm0, $0x41200000, v1;
	v18 =	vsel vm1, $0x41A00000, v1  }
0x5e: {  	vm0 =	vgt.u32 v24, $0x4;
	vm1 =	vlt.u32 v14, $0x40;
	v17 =	vsub.f32 v17, v18  }
0x5f: {  	vm2 =	vmand vm0, vm1  }
0x60: {  	v16 =	vnsel vm2, $0x3E99999A, v16;
	v14 =	vadd.f32 $-1.000000010e-01, v17  }
0x61: {  	v17 =	vmax.u32 v24, $0x4;
	v18 =	vmul.f32 $4.000000000e+00, v16  }
0x62: {  	v13 =	vadd.f32 v14, v13;
	v14 =	vshll.u32 v17, $0x4  }
0x63: {  	v17 =	vtrunc.f32 v18;
	v14 =	vadd.s32 $0x7FFFFFC0, v14  }
0x64: {  	v17 =	vcvt.f32.s32 v17;
	v14 =	vand.u32 $0x7FFFFFF0, v14  }
0x65: {  	s30 =	simm.s32 $0x10F70;
	v13 =	vmul.f32 v13, v4;
	v14 =	vor.u32 v0, v14  }
0x66: {  	[tilespmem:s30+$0xFFFFF090] =	vst v16;
	vm2 =	veq.s32 v17, $0x3;
	v18 =	vadd.s32 v14, v15  }
0x67: {  	vm3 =	veq.s32 v17, $0x1;
	[tilespmem:s30+$0xED0] =	vst v13;
	v16 =	vsel vm2, $0x3F800000, v1  }
0x68: {  	vm2 =	veq.s32 v17, $0x2;
	v17 =	vsel vm3, $0x3F800000, v1;
	[tilespmem:s30+$0x740] =	vst v16  }
0x69: {  	v16 =	vsel vm2, $0x3F800000, v1;
	[tilespmem:s30+$0xFFFFF820] =	vst v17  }
0x6a: {  	[tilespmem:s30+$0xFFFFFFB0] =	vst v16  }
0x6b: {  	v16 =	vld.idx.msk [tilespmem:v18+s4+$0x0], $0xffff;
	_ =	sdelay $0x2  }
0x6c: {  	vm2 =	vgt.u32 v24, $0x3  }
0x6d: {  	vm3 =	vmand vm2, vm1  }
0x6e: {  	v17 =	vnsel vm3, $0x3E99999A, v16  }
0x6f: {  	v16 =	vmax.u32 v24, $0x3;
	v18 =	vmul.f32 $4.000000000e+00, v17  }
0x70: {  	v16 =	vshll.u32 v16, $0x4  }
0x71: {  	v16 =	vadd.s32 $0x7FFFFFD0, v16;
	v18 =	vtrunc.f32 v18  }
0x72: {  	v16 =	vand.u32 $0x7FFFFFF0, v16;
	v18 =	vcvt.f32.s32 v18  }
0x73: {  	v16 =	vor.u32 v0, v16  }
0x74: {  	[tilespmem:s30+$0xEE0] =	vst v13;
	v20 =	vadd.s32 v16, v15;
	vm3 =	veq.s32 v18, $0x1  }
0x75: {  	[tilespmem:s30+$0xFFFFF0A0] =	vst v17;
	vm4 =	veq.s32 v18, $0x2;
	v17 =	vsel vm3, $0x3F800000, v1  }
0x76: {  	vm3 =	veq.s32 v18, $0x3;
	v18 =	vsel vm4, $0x3F800000, v1;
	[tilespmem:s30+$0xFFFFF830] =	vst v17  }
0x77: {  	v17 =	vsel vm3, $0x3F800000, v1;
	[tilespmem:s30+$0xFFFFFFC0] =	vst v18  }
0x78: {  	[tilespmem:s30+$0x750] =	vst v17  }
0x79: {  	v17 =	vld.idx.msk [tilespmem:v20+s4+$0x0], $0xffff;
	_ =	sdelay $0x2  }
0x7a: {  	vm3 =	vgt.u32 v24, $0x2  }
0x7b: {  	vm4 =	vmand vm3, vm1  }
0x7c: {  	v18 =	vnsel vm4, $0x3E99999A, v17  }
0x7d: {  	v17 =	vmax.u32 v24, $0x2;
	v20 =	vmul.f32 $4.000000000e+00, v18  }
0x7e: {  	v17 =	vshll.u32 v17, $0x4  }
0x7f: {  	v17 =	vadd.s32 $0x7FFFFFE0, v17;
	v20 =	vtrunc.f32 v20  }
0x80: {  	v17 =	vand.u32 $0x7FFFFFF0, v17;
	v20 =	vcvt.f32.s32 v20  }
0x81: {  	v17 =	vor.u32 v0, v17  }
0x82: {  	[tilespmem:s30+$0xEF0] =	vst v13;
	v21 =	vadd.s32 v17, v15;
	vm4 =	veq.s32 v20, $0x2  }
0x83: {  	[tilespmem:s30+$0xFFFFF0B0] =	vst v18;
	vm5 =	veq.s32 v20, $0x1;
	v18 =	vsel vm4, $0x3F800000, v1  }
0x84: {  	vm4 =	veq.s32 v20, $0x3;
	v20 =	vsel vm5, $0x3F800000, v1;
	[tilespmem:s30+$0xFFFFFFD0] =	vst v18  }
0x85: {  	v18 =	vsel vm4, $0x3F800000, v1;
	[tilespmem:s30+$0xFFFFF840] =	vst v20  }
0x86: {  	[tilespmem:s30+$0x760] =	vst v18  }
0x87: {  	v18 =	vld.idx.msk [tilespmem:v21+s4+$0x0], $0xffff;
	_ =	sdelay $0x2  }
0x88: {  	vm4 =	vgt.u32 v24, $0x1  }
0x89: {  	vm5 =	vmand vm4, vm1  }
0x8a: {  	v20 =	vnsel vm5, $0x3E99999A, v18  }
0x8b: {  	v18 =	vmul.f32 $4.000000000e+00, v20;
	_ =	sdelay $0x1  }
0x8c: {  	v21 =	vadd.s32 $0x7FFFFFF0, v19;
	v18 =	vtrunc.f32 v18  }
0x8d: {  	v21 =	vand.u32 $0x7FFFFFF0, v21;
	v22 =	vcvt.f32.s32 v18  }
0x8e: {  	v18 =	vor.u32 v0, v21  }
0x8f: {  	[tilespmem:s30+$0xF00] =	vst v13;
	v21 =	vadd.s32 v18, v15;
	vm5 =	veq.s32 v22, $0x2  }
0x90: {  	[tilespmem:s30+$0xFFFFF0C0] =	vst v20;
	vm6 =	veq.s32 v22, $0x1;
	v20 =	vsel vm5, $0x3F800000, v1  }
0x91: {  	vm5 =	veq.s32 v22, $0x3;
	v22 =	vsel vm6, $0x3F800000, v1;
	[tilespmem:s30+$0xFFFFFFE0] =	vst v20  }
0x92: {  	v20 =	vsel vm5, $0x3F800000, v1;
	[tilespmem:s30+$0xFFFFF850] =	vst v22  }
0x93: {  	[tilespmem:s30+$0x770] =	vst v20  }
0x94: {  	v20 =	vld.idx.msk [tilespmem:v21+s4+$0x0], $0xffff;
	_ =	sdelay $0x4  }
0x95: {  	v20 =	vnsel vm1, $0x3E99999A, v20  }
0x96: {  	v21 =	vmul.f32 $4.000000000e+00, v20;
	_ =	sdelay $0x1  }
0x97: {  	v21 =	vtrunc.f32 v21  }
0x98: {  	v21 =	vcvt.f32.s32 v21;
	_ =	sdelay $0x1  }
0x99: {  	v22 =	vor.u32 v15, v10;
	[tilespmem:s30+$0xF10] =	vst v13;
	vm5 =	veq.s32 v21, $0x2  }
0x9a: {  	[tilespmem:s30+$0xFFFFF0D0] =	vst v20;
	vm6 =	veq.s32 v21, $0x1;
	v20 =	vsel vm5, $0x3F800000, v1  }
0x9b: {  	vm5 =	veq.s32 v21, $0x3;
	v21 =	vsel vm6, $0x3F800000, v1;
	[tilespmem:s30+$0xFFFFFFF0] =	vst v20  }
0x9c: {  	v20 =	vsel vm5, $0x3F800000, v1;
	[tilespmem:s30+$0xFFFFF860] =	vst v21  }
0x9d: {  	[tilespmem:s30+$0x780] =	vst v20  }
0x9e: {  	v20 =	vld.idx.msk [tilespmem:v22+s4+$0x0], $0xffff;
	_ =	sdelay $0x4  }
0x9f: {  	v20 =	vnsel vm1, $0x3E99999A, v20  }
0xa0: {  	v21 =	vmul.f32 $4.000000000e+00, v20;
	_ =	sdelay $0x1  }
0xa1: {  	v21 =	vtrunc.f32 v21  }
0xa2: {  	v21 =	vcvt.f32.s32 v21  }
0xa3: {  	v19 =	vadd.s32 v2, v19  }
0xa4: {  	[tilespmem:s30+$0xF20] =	vst v13;
	v22 =	vadd.s32 v19, v15;
	vm5 =	veq.s32 v21, $0x2  }
0xa5: {  	[tilespmem:s30+$0xFFFFF0E0] =	vst v20;
	vm6 =	veq.s32 v21, $0x1;
	v20 =	vsel vm5, $0x3F800000, v1  }
0xa6: {  	vm5 =	veq.s32 v21, $0x3;
	v21 =	vsel vm6, $0x3F800000, v1;
	[tilespmem:s30+$0x0] =	vst v20  }
0xa7: {  	v20 =	vsel vm5, $0x3F800000, v1;
	[tilespmem:s30+$0xFFFFF870] =	vst v21  }
0xa8: {  	[tilespmem:s30+$0x790] =	vst v20  }
0xa9: {  	v20 =	vld.idx.msk [tilespmem:v22+s4+$0x0], $0xffff;
	_ =	sdelay $0x4  }
0xaa: {  	v21 =	vnsel vm1, $0x3E99999A, v20  }
0xab: {  	v20 =	vmul.f32 $4.000000000e+00, v21;
	_ =	sdelay $0x1  }
0xac: {  	v22 =	vmin.u32 v24, $0x3D;
	v20 =	vtrunc.f32 v20  }
0xad: {  	v22 =	vshll.u32 v22, $0x4;
	v23 =	vcvt.f32.s32 v20  }
0xae: {  	v20 =	vadd.s32 v3, v22  }
0xaf: {  	[tilespmem:s30+$0xF30] =	vst v13;
	v22 =	vadd.s32 v20, v15;
	vm5 =	veq.s32 v23, $0x2  }
0xb0: {  	[tilespmem:s30+$0xFFFFF0F0] =	vst v21;
	vm6 =	veq.s32 v23, $0x1;
	v21 =	vsel vm5, $0x3F800000, v1  }
0xb1: {  	vm5 =	veq.s32 v23, $0x3;
	v23 =	vsel vm6, $0x3F800000, v1;
	[tilespmem:s30+$0x10] =	vst v21  }
0xb2: {  	v21 =	vsel vm5, $0x3F800000, v1;
	[tilespmem:s30+$0xFFFFF880] =	vst v23  }
0xb3: {  	[tilespmem:s30+$0x7A0] =	vst v21  }
0xb4: {  	v21 =	vld.idx.msk [tilespmem:v22+s4+$0x0], $0xffff;
	_ =	sdelay $0x2  }
0xb5: {  	vm5 =	vlt.u32 v24, $0x3E  }
0xb6: {  	vm6 =	vmand vm5, vm1  }
0xb7: {  	v22 =	vnsel vm6, $0x3E99999A, v21  }
0xb8: {  	v21 =	vmul.f32 $4.000000000e+00, v22;
	_ =	sdelay $0x1  }
0xb9: {  	v23 =	vmin.u32 v24, $0x3C;
	v21 =	vtrunc.f32 v21  }
0xba: {  	v23 =	vshll.u32 v23, $0x4;
	v25 =	vcvt.f32.s32 v21  }
0xbb: {  	v21 =	vadd.s32 v5, v23  }
0xbc: {  	[tilespmem:s30+$0xF40] =	vst v13;
	v23 =	vadd.s32 v21, v15;
	vm6 =	veq.s32 v25, $0x2  }
0xbd: {  	[tilespmem:s30+$0xFFFFF100] =	vst v22;
	vm7 =	veq.s32 v25, $0x1;
	v22 =	vsel vm6, $0x3F800000, v1  }
0xbe: {  	vm6 =	veq.s32 v25, $0x3;
	v25 =	vsel vm7, $0x3F800000, v1;
	[tilespmem:s30+$0x20] =	vst v22  }
0xbf: {  	v22 =	vsel vm6, $0x3F800000, v1;
	[tilespmem:s30+$0xFFFFF890] =	vst v25  }
0xc0: {  	[tilespmem:s30+$0x7B0] =	vst v22  }
0xc1: {  	v22 =	vld.idx.msk [tilespmem:v23+s4+$0x0], $0xffff;
	_ =	sdelay $0x2  }
0xc2: {  	vm6 =	vlt.u32 v24, $0x3D  }
0xc3: {  	vm7 =	vmand vm6, vm1  }
0xc4: {  	v23 =	vnsel vm7, $0x3E99999A, v22  }
0xc5: {  	v22 =	vmul.f32 $4.000000000e+00, v23;
	_ =	sdelay $0x1  }
0xc6: {  	v25 =	vmin.u32 v24, $0x3B;
	v22 =	vtrunc.f32 v22  }
0xc7: {  	v25 =	vshll.u32 v25, $0x4;
	v26 =	vcvt.f32.s32 v22  }
0xc8: {  	v22 =	vadd.s32 v6, v25  }
0xc9: {  	[tilespmem:s30+$0xF50] =	vst v13;
	v25 =	vadd.s32 v22, v15;
	vm7 =	veq.s32 v26, $0x3  }
0xca: {  	[tilespmem:s30+$0xFFFFF110] =	vst v23;
	vm8 =	veq.s32 v26, $0x1;
	v23 =	vsel vm7, $0x3F800000, v1  }
0xcb: {  	vm7 =	veq.s32 v26, $0x2;
	v26 =	vsel vm8, $0x3F800000, v1;
	[tilespmem:s30+$0x7C0] =	vst v23  }
0xcc: {  	v23 =	vsel vm7, $0x3F800000, v1;
	[tilespmem:s30+$0xFFFFF8A0] =	vst v26  }
0xcd: {  	[tilespmem:s30+$0x30] =	vst v23  }
0xce: {  	v23 =	vld.idx.msk [tilespmem:v25+s4+$0x0], $0xffff;
	_ =	sdelay $0x2  }
0xcf: {  	vm8 =	vlt.u32 v24, $0x3C  }
0xd0: {  	vm7 =	vmand vm8, vm1  }
0xd1: {  	v25 =	vnsel vm7, $0x3E99999A, v23  }
0xd2: {  	v23 =	vmul.f32 $4.000000000e+00, v25  }
0xd3: {  	v26 =	vmin.u32 v24, $0x3A  }
0xd4: {  	v26 =	vshll.u32 v26, $0x4;
	[tilespmem:s30+$0xF60] =	vst v13;
	v27 =	vtrunc.f32 v23  }
0xd5: {  	s31 =	sadd.s32 s7, s1;
	s1 =	simm.s32 $0x10F70;
	s3 =	simm.s32 $0xFFFFFFFC;
	vm7 =	vlt.u32 v24, $0x3B;
	[tilespmem:s30+$0xFFFFF120] =	vst v25;
	v23 =	vadd.s32 v7, v26;
	v24 =	vcvt.f32.s32 v27  }
.LBB2_5:
0xd6: {  	p0 =	sne.s32 s3, $0x5  }
0xd7: {  	v15 =	vadd.s32 v23, v15;
	s30 =	sadd.s32 $0xB0, s30;
	s2 =	smov.u32 s3;
	s3 =	sadd.s32 $0x1, s3  }
0xd8: {  	vm9 =	veq.s32 v24, $0x1;
	vm10 =	veq.s32 v24, $0x2;
	vm11 =	veq.s32 v24, $0x3  }
0xd9: {  	v24 =	vsel vm9, $0x3F800000, v1;
	v25 =	vsel vm10, $0x3F800000, v1;
	v26 =	vsel vm11, $0x3F800000, v1  }
0xda: {  	[tilespmem:s1+$0xFFFFF8B0] =	vst v24  }
0xdb: {  	[tilespmem:s1+$0x40] =	vst v25  }
0xdc: {  	[tilespmem:s1+$0x7D0] =	vst v26  }
0xdd: {  	v15 =	vld.idx.msk [tilespmem:v15+s4+$0x0], $0xffff  }
0xde: {  	[tilespmem:s1+$0xF70] =	vst v13;
	_ =	sdelay $0x3  }
0xdf: {  	vm1 =	vmand vm7, vm1  }
0xe0: {  	v15 =	vnsel vm1, $0x3E99999A, v15  }
0xe1: {  	v24 =	vadd.s32 s2, v9;
	v25 =	vmul.f32 $4.000000000e+00, v15;
	[tilespmem:s1+$0xFFFFF130] =	vst v15  }
0xe2: {  	vm1 =	vgt.s32 v24, $0x0  }
0xe3: {  	v15 =	vnsel vm1, $0x0, v24;
	v25 =	vtrunc.f32 v25  }
0xe4: {  	v15 =	vmin.u32 v15, $0x3F;
	v25 =	vcvt.f32.s32 v25  }
0xe5: {  	v15 =	vshll.u32 v15, $0xA  }
0xe6: {  	v26 =	vadd.s32 v12, v15;
	vm1 =	veq.s32 v25, $0x1;
	vm9 =	veq.s32 v25, $0x3  }
0xe7: {  	v27 =	vsel vm1, $0x3F800000, v1;
	vm1 =	veq.s32 v25, $0x2;
	v25 =	vsel vm9, $0x3F800000, v1  }
0xe8: {  	[tilespmem:s1+$0xFFFFF8C0] =	vst v27;
	v27 =	vsel vm1, $0x3F800000, v1  }
0xe9: {  	[tilespmem:s1+$0x50] =	vst v27  }
0xea: {  	[tilespmem:s1+$0x7E0] =	vst v25;
	s1 =	smov.u32 s30  }
0xeb: {  	v25 =	vld.idx.msk [tilespmem:v26+s4+$0x0], $0xffff;
	_ =	sdelay $0x3  }
0xec: {  	vm1 =	vlt.u32 v24, $0x40  }
0xed: {  	vm9 =	vmand vm0, vm1  }
0xee: {  	v24 =	vnsel vm9, $0x3E99999A, v25  }
0xef: {  	v25 =	vmul.f32 $4.000000000e+00, v24;
	_ =	sdelay $0x1  }
0xf0: {  	v25 =	vtrunc.f32 v25  }
0xf1: {  	v25 =	vcvt.f32.s32 v25  }
0xf2: {  	v26 =	vadd.s32 v14, v15  }
0xf3: {  	vm9 =	veq.s32 v25, $0x1;
	vm10 =	veq.s32 v25, $0x2;
	vm11 =	veq.s32 v25, $0x3;
	[tilespmem:s30+$0xED0] =	vst v13  }
0xf4: {  	v25 =	vsel vm10, $0x3F800000, v1;
	v27 =	vsel vm11, $0x3F800000, v1;
	[tilespmem:s30+$0xFFFFF090] =	vst v24;
	v24 =	vsel vm9, $0x3F800000, v1  }
0xf5: {  	[tilespmem:s30+$0x740] =	vst v27  }
0xf6: {  	[tilespmem:s30+$0xFFFFF820] =	vst v24  }
0xf7: {  	[tilespmem:s30+$0xFFFFFFB0] =	vst v25  }
0xf8: {  	v24 =	vld.idx.msk [tilespmem:v26+s4+$0x0], $0xffff;
	_ =	sdelay $0x4  }
0xf9: {  	vm9 =	vmand vm2, vm1  }
0xfa: {  	v24 =	vnsel vm9, $0x3E99999A, v24  }
0xfb: {  	v25 =	vmul.f32 $4.000000000e+00, v24;
	_ =	sdelay $0x1  }
0xfc: {  	v25 =	vtrunc.f32 v25  }
0xfd: {  	v25 =	vcvt.f32.s32 v25  }
0xfe: {  	v26 =	vadd.s32 v16, v15  }
0xff: {  	vm9 =	veq.s32 v25, $0x1;
	vm10 =	veq.s32 v25, $0x2;
	vm11 =	veq.s32 v25, $0x3;
	[tilespmem:s30+$0xEE0] =	vst v13  }
0x100: {  	v25 =	vsel vm10, $0x3F800000, v1;
	v27 =	vsel vm11, $0x3F800000, v1;
	[tilespmem:s30+$0xFFFFF0A0] =	vst v24;
	v24 =	vsel vm9, $0x3F800000, v1  }
0x101: {  	[tilespmem:s30+$0xFFFFF830] =	vst v24  }
0x102: {  	[tilespmem:s30+$0xFFFFFFC0] =	vst v25  }
0x103: {  	[tilespmem:s30+$0x750] =	vst v27  }
0x104: {  	v24 =	vld.idx.msk [tilespmem:v26+s4+$0x0], $0xffff;
	_ =	sdelay $0x4  }
0x105: {  	vm9 =	vmand vm3, vm1  }
0x106: {  	v24 =	vnsel vm9, $0x3E99999A, v24  }
0x107: {  	v25 =	vmul.f32 $4.000000000e+00, v24;
	_ =	sdelay $0x1  }
0x108: {  	v25 =	vtrunc.f32 v25  }
0x109: {  	v25 =	vcvt.f32.s32 v25  }
0x10a: {  	v26 =	vadd.s32 v17, v15  }
0x10b: {  	vm9 =	veq.s32 v25, $0x1;
	vm10 =	veq.s32 v25, $0x2;
	vm11 =	veq.s32 v25, $0x3;
	[tilespmem:s30+$0xEF0] =	vst v13  }
0x10c: {  	v25 =	vsel vm10, $0x3F800000, v1;
	v27 =	vsel vm11, $0x3F800000, v1;
	[tilespmem:s30+$0xFFFFF0B0] =	vst v24;
	v24 =	vsel vm9, $0x3F800000, v1  }
0x10d: {  	[tilespmem:s30+$0xFFFFFFD0] =	vst v25  }
0x10e: {  	[tilespmem:s30+$0xFFFFF840] =	vst v24  }
0x10f: {  	[tilespmem:s30+$0x760] =	vst v27  }
0x110: {  	v24 =	vld.idx.msk [tilespmem:v26+s4+$0x0], $0xffff;
	_ =	sdelay $0x4  }
0x111: {  	vm9 =	vmand vm4, vm1  }
0x112: {  	v24 =	vnsel vm9, $0x3E99999A, v24  }
0x113: {  	v25 =	vmul.f32 $4.000000000e+00, v24;
	_ =	sdelay $0x1  }
0x114: {  	v25 =	vtrunc.f32 v25  }
0x115: {  	v25 =	vcvt.f32.s32 v25  }
0x116: {  	v26 =	vadd.s32 v18, v15  }
0x117: {  	vm9 =	veq.s32 v25, $0x1;
	vm10 =	veq.s32 v25, $0x2;
	vm11 =	veq.s32 v25, $0x3;
	[tilespmem:s30+$0xF00] =	vst v13  }
0x118: {  	v25 =	vsel vm10, $0x3F800000, v1;
	v27 =	vsel vm11, $0x3F800000, v1;
	[tilespmem:s30+$0xFFFFF0C0] =	vst v24;
	v24 =	vsel vm9, $0x3F800000, v1  }
0x119: {  	[tilespmem:s30+$0xFFFFFFE0] =	vst v25  }
0x11a: {  	[tilespmem:s30+$0xFFFFF850] =	vst v24  }
0x11b: {  	[tilespmem:s30+$0x770] =	vst v27  }
0x11c: {  	v24 =	vld.idx.msk [tilespmem:v26+s4+$0x0], $0xffff;
	_ =	sdelay $0x5  }
0x11d: {  	v24 =	vnsel vm1, $0x3E99999A, v24  }
0x11e: {  	v25 =	vmul.f32 $4.000000000e+00, v24;
	_ =	sdelay $0x1  }
0x11f: {  	v25 =	vtrunc.f32 v25  }
0x120: {  	v25 =	vcvt.f32.s32 v25  }
0x121: {  	v26 =	vor.u32 v15, v10  }
0x122: {  	vm9 =	veq.s32 v25, $0x1;
	vm10 =	veq.s32 v25, $0x2;
	vm11 =	veq.s32 v25, $0x3;
	[tilespmem:s30+$0xF10] =	vst v13  }
0x123: {  	v25 =	vsel vm10, $0x3F800000, v1;
	v27 =	vsel vm11, $0x3F800000, v1;
	[tilespmem:s30+$0xFFFFF0D0] =	vst v24;
	v24 =	vsel vm9, $0x3F800000, v1  }
0x124: {  	[tilespmem:s30+$0xFFFFFFF0] =	vst v25  }
0x125: {  	[tilespmem:s30+$0xFFFFF860] =	vst v24  }
0x126: {  	[tilespmem:s30+$0x780] =	vst v27  }
0x127: {  	v24 =	vld.idx.msk [tilespmem:v26+s4+$0x0], $0xffff  }
0x128: {  	[tilespmem:s30+$0xF20] =	vst v13;
	_ =	sdelay $0x4  }
0x129: {  	v24 =	vnsel vm1, $0x3E99999A, v24  }
0x12a: {  	v25 =	vmul.f32 $4.000000000e+00, v24;
	[tilespmem:s30+$0xFFFFF0E0] =	vst v24;
	_ =	sdelay $0x1  }
0x12b: {  	v24 =	vtrunc.f32 v25  }
0x12c: {  	v24 =	vcvt.f32.s32 v24  }
0x12d: {  	v25 =	vadd.s32 v19, v15  }
0x12e: {  	vm9 =	veq.s32 v24, $0x1;
	vm10 =	veq.s32 v24, $0x2;
	vm11 =	veq.s32 v24, $0x3  }
0x12f: {  	v24 =	vsel vm9, $0x3F800000, v1;
	v26 =	vsel vm10, $0x3F800000, v1;
	v27 =	vsel vm11, $0x3F800000, v1  }
0x130: {  	[tilespmem:s30+$0x0] =	vst v26  }
0x131: {  	[tilespmem:s30+$0xFFFFF870] =	vst v24  }
0x132: {  	[tilespmem:s30+$0x790] =	vst v27  }
0x133: {  	v24 =	vld.idx.msk [tilespmem:v25+s4+$0x0], $0xffff  }
0x134: {  	[tilespmem:s30+$0xF30] =	vst v13;
	_ =	sdelay $0x4  }
0x135: {  	v24 =	vnsel vm1, $0x3E99999A, v24  }
0x136: {  	v25 =	vmul.f32 $4.000000000e+00, v24;
	[tilespmem:s30+$0xFFFFF0F0] =	vst v24;
	_ =	sdelay $0x1  }
0x137: {  	v24 =	vtrunc.f32 v25  }
0x138: {  	v24 =	vcvt.f32.s32 v24  }
0x139: {  	v25 =	vadd.s32 v20, v15  }
0x13a: {  	vm9 =	veq.s32 v24, $0x1;
	vm10 =	veq.s32 v24, $0x2;
	vm11 =	veq.s32 v24, $0x3  }
0x13b: {  	v24 =	vsel vm9, $0x3F800000, v1;
	v26 =	vsel vm10, $0x3F800000, v1;
	v27 =	vsel vm11, $0x3F800000, v1  }
0x13c: {  	[tilespmem:s30+$0x10] =	vst v26  }
0x13d: {  	[tilespmem:s30+$0xFFFFF880] =	vst v24  }
0x13e: {  	[tilespmem:s30+$0x7A0] =	vst v27  }
0x13f: {  	v24 =	vld.idx.msk [tilespmem:v25+s4+$0x0], $0xffff  }
0x140: {  	[tilespmem:s30+$0xF40] =	vst v13;
	_ =	sdelay $0x3  }
0x141: {  	vm9 =	vmand vm5, vm1  }
0x142: {  	v24 =	vnsel vm9, $0x3E99999A, v24  }
0x143: {  	v25 =	vmul.f32 $4.000000000e+00, v24;
	[tilespmem:s30+$0xFFFFF100] =	vst v24;
	_ =	sdelay $0x1  }
0x144: {  	v24 =	vtrunc.f32 v25  }
0x145: {  	v24 =	vcvt.f32.s32 v24  }
0x146: {  	v25 =	vadd.s32 v21, v15  }
0x147: {  	vm9 =	veq.s32 v24, $0x1;
	vm10 =	veq.s32 v24, $0x2;
	vm11 =	veq.s32 v24, $0x3  }
0x148: {  	v24 =	vsel vm9, $0x3F800000, v1;
	v26 =	vsel vm10, $0x3F800000, v1;
	v27 =	vsel vm11, $0x3F800000, v1  }
0x149: {  	[tilespmem:s30+$0x20] =	vst v26  }
0x14a: {  	[tilespmem:s30+$0xFFFFF890] =	vst v24  }
0x14b: {  	[tilespmem:s30+$0x7B0] =	vst v27  }
0x14c: {  	v24 =	vld.idx.msk [tilespmem:v25+s4+$0x0], $0xffff  }
0x14d: {  	[tilespmem:s30+$0xF50] =	vst v13;
	_ =	sdelay $0x3  }
0x14e: {  	vm9 =	vmand vm6, vm1  }
0x14f: {  	v24 =	vnsel vm9, $0x3E99999A, v24  }
0x150: {  	v25 =	vmul.f32 $4.000000000e+00, v24;
	[tilespmem:s30+$0xFFFFF110] =	vst v24;
	_ =	sdelay $0x1  }
0x151: {  	v24 =	vtrunc.f32 v25  }
0x152: {  	v24 =	vcvt.f32.s32 v24  }
0x153: {  	v25 =	vadd.s32 v22, v15  }
0x154: {  	vm9 =	veq.s32 v24, $0x1;
	vm10 =	veq.s32 v24, $0x2;
	vm11 =	veq.s32 v24, $0x3  }
0x155: {  	v24 =	vsel vm9, $0x3F800000, v1;
	v26 =	vsel vm10, $0x3F800000, v1;
	v27 =	vsel vm11, $0x3F800000, v1  }
0x156: {  	[tilespmem:s30+$0x7C0] =	vst v27  }
0x157: {  	[tilespmem:s30+$0xFFFFF8A0] =	vst v24  }
0x158: {  	[tilespmem:s30+$0x30] =	vst v26  }
0x159: {  	v24 =	vld.idx.msk [tilespmem:v25+s4+$0x0], $0xffff  }
0x15a: {  	[tilespmem:s30+$0xF60] =	vst v13;
	_ =	sdelay $0x3  }
0x15b: {  	vm9 =	vmand vm8, vm1  }
.Ltmp1:
0x15c: {  	v24 =	vnsel vm9, $0x3E99999A, v24;
	(pc) =	sbr.rel @p0 .LBB2_5-.Ltmp1, $3  }
0x15d: {  	v25 =	vmul.f32 $4.000000000e+00, v24;
	[tilespmem:s30+$0xFFFFF120] =	vst v24;
	_ =	sdelay $0x1  }
0x15e: {  	v24 =	vtrunc.f32 v25  }
0x15f: {  	v24 =	vcvt.f32.s32 v24  }
0x160: {  	_ = 	snop  }
0x161: {  	v9 =	vadd.s32 v23, v15;
	vm0 =	veq.s32 v24, $0x1  }
0x162: {  	vm2 =	veq.s32 v24, $0x2;
	v10 =	vsel vm0, $0x3F800000, v1  }
0x163: {  	vm6 =	veq.s32 v24, $0x3;
	v12 =	vsel vm2, $0x3F800000, v1;
	[tilespmem:s1+$0xFFFFF8B0] =	vst v10  }
0x164: {  	v57 =	vsel vm6, $0x3F800000, v1;
	[tilespmem:s1+$0x40] =	vst v12  }
0x165: {  	[tilespmem:s1+$0x7D0] =	vst v57  }
0x166: {  	v9 =	vld.idx.msk [tilespmem:v9+s4+$0x0], $0xffff;
	_ =	sdelay $0x3  }
0x167: {  	vm8 =	vmand vm7, vm1  }
0x168: {  	v9 =	vnsel vm8, $0x3E99999A, v9  }
0x169: {  	v58 =	vmul.f32 $4.000000000e+00, v9  }
0x16a: {  	v11 =	vand.u32 $0xFFFFFFFE, v11  }
0x16b: {  	vm9 =	veq.s32 v11, $0x2;
	v10 =	vtrunc.f32 v58  }
0x16c: {  	v8 =	vsel vm9, $0x0, v8;
	v10 =	vcvt.f32.s32 v10  }
0x16d: {  	v59 =	vmul.f32 $4.000000000e+00, v8  }
0x16e: {  	[tilespmem:s1+$0xF70] =	vst v13;
	vm10 =	veq.s32 v10, $0x1  }
0x16f: {  	v11 =	vtrunc.f32 v59;
	[tilespmem:s1+$0xFFFFF130] =	vst v9;
	vm11 =	veq.s32 v10, $0x2;
	v60 =	vsel vm10, $0x3F800000, v1  }
0x170: {  	v62 =	vcvt.f32.s32 v11;
	vm12 =	veq.s32 v10, $0x3;
	v61 =	vsel vm11, $0x3F800000, v1;
	[tilespmem:s1+$0xFFFFF8C0] =	vst v60  }
0x171: {  	s29 =	sadd.s32 $0x1, s29;
	v63 =	vsel vm12, $0x3F800000, v1;
	[tilespmem:s1+$0x50] =	vst v61  }
0x172: {  	p0 =	sne.s32 s29, $0x8;
	vm13 =	veq.s32 v62, $0x1;
	[tilespmem:s1+$0x7E0] =	vst v63  }
.Ltmp2:
0x173: {  	vm14 =	veq.s32 v62, $0x2;
	[tilespmem:$0x103C0] =	vst v8;
	v8 =	vsel vm13, $0x3F800000, v1;
	(pc) =	sbr.rel @p0 .LBB2_2-.Ltmp2, $4  }
0x174: {  	vm15 =	veq.s32 v62, $0x3;
	[tilespmem:$0x10B50] =	vst v8;
	v8 =	vsel vm14, $0x3F800000, v1  }
0x175: {  	s31 =	sshrl.u32 s31, $0x3;
	[tilespmem:$0x112E0] =	vst v8;
	v8 =	vsel vm15, $0x3F800000, v1  }
0x176: {  	s1 =	sadd.s32 s6, s31;
	[tilespmem:$0x11A70] =	vst v8  }
0x177: {  	[hbm4b:s1+s21] =	stream.strided.scatter [tilespmem:s25], [sflag:$0x2], $0x25D0, s24, s21, $0x38;
	[tilespmem:$0x127F0] =	vst v63  }
0x178: {  	s28 =	sadd.s32 $0x1, s28  }
0x179: {  	p0 =	sne.s32 s28, s13  }
.Ltmp3:
0x17a: {  	_ = 	snop;
	(pc) =	sbr.rel @p0 .LBB2_1-.Ltmp3, $4  }
0x17b: {  	_ = 	snop  }
0x17c: {  	_ =	swait.ge [sflag:s26], $0x25D0  }
0x17d: {  	[sflag:s26] =	ssyncset.done $0x0  }
0x17e: {  	[sflag:s26] =	ssyncadd.s32 $0xFFFFDA30  }
0x17f: {  	_ =	sfence.sel $0x180000  }
0x180: {  	[bflag:$0x0] =	sbarrier.arrive $0xFFFF  }
0x181: {  	_ =	strace $0x90000047  }
0x182: {  	s0 =	stileid.u32;
	[bflag:$0x2] =	sbarrier.arrive $0xFFFF  }
0x183: {  	p0 =	sne.s32 s0, $0x0;
	s0 =	rddreg [dreg:$0x7]  }
0x184: {  	s0 =	sadd.s32 @!p0 $0x100000, s0  }
0x185: {  	[sflag:s0] =	ssyncadd.tile.s32 @!p0 $0x1;
	_ =	shalt  }
.Lfunc_end2:
_tile_overlayer_lowered:
.L_overlay_start_2:
0x186: {  	(tag) =	ssettag $0x2  }
0x187: {  	s0 =	rddreg [dreg:$0x0];
	s2 =	stileid.u32  }
0x188: {  	s1 =	rddreg [dreg:$0x1];
	p0 =	sne.s32 s2, $0x0  }
0x189: {  	s3 =	rddreg [dreg:$0x2];
	[bflag:$0x3] =	sbarrier.arrive $0xFFFF;
	s2 =	simm.s32 @!p0 $0x1C03  }
0x18a: {  	[timem:s3], [sflag:s2] =	dma.local @!p0 [hbm:s0], s1  }
0x18b: {  	s0 =	simm.s32 @!p0 $0x3  }
0x18c: {  	_ =	swait.ge @!p0 [sflag:s0], s1  }
0x18d: {  	s1 =	ssub.s32 @!p0 $0x0, s1;
	[sflag:s0] =	ssyncset.done @!p0 $0x0  }
0x18e: {  	[sflag:s0] =	ssyncadd.s32 @!p0 s1  }
0x18f: {  	[bflag:$0x3] =	sbarrier.arrive $0xFFFF  }
0x190: {  	_ =	shalt  }

</sc_bundles>
